<compile_context>
chip_gen: v7x
topology: tpu7x:2x2x1
jax: 0.10.2.dev20260603
libtpu: 0.0.44.dev20260713+nightly
codegen_flags: <defaults>
</compile_context>

<pallas_src>
import functools

import jax
import jax.numpy as jnp
from jax import lax
from jax.experimental import pallas as pl
from jax.experimental.pallas import tpu as pltpu
from jax.experimental.pallas import tpu_sc as plsc

_NC = 2
_NS = 16
_NW = _NC * _NS
_L = 16
_G = 128


def _sc_partial_sums(n_rows, n_seg, d):
  assert n_rows % _G == 0 and d == 128
  assert n_seg % _NW == 0 and n_seg // _NW == 2 * _L
  ng = n_rows // _G
  seg_per_tile = n_seg // _NS
  seg_per_w = n_seg // _NW
  bs_steps = n_rows.bit_length()

  mesh = plsc.VectorSubcoreMesh(
      core_axis_name="c", subcore_axis_name="s",
      num_cores=_NC, num_subcores=_NS,
  )

  @functools.partial(
      pl.kernel,
      out_type=(
          jax.ShapeDtypeStruct((_NC, n_seg, d), jnp.float32),
          jax.ShapeDtypeStruct((_NW, 128), jnp.float32),
      ),
      mesh=mesh,
      scratch_types=[
          pltpu.VMEM((_G, d), jnp.float32),
          pltpu.VMEM((_G, d), jnp.float32),
          pltpu.VMEM((1, _G), jnp.int32),
          pltpu.VMEM((1, _G), jnp.int32),
          pltpu.VMEM((64,), jnp.int32),
          pltpu.VMEM((64,), jnp.int32),
          pltpu.VMEM((128,), jnp.float32),
          pltpu.VMEM_SHARED((n_seg, d), jnp.float32),
          pltpu.SemaphoreType.DMA,
          pltpu.SemaphoreType.DMA,
          pltpu.SemaphoreType.DMA,
          pltpu.SemaphoreType.DMA,
          pltpu.SemaphoreType.DMA,
          pltpu.SemaphoreType.DMA,
          pltpu.SemaphoreType.DMA,
      ],
  )
  def sc_kernel(papers_hbm, ids_hbm, idsflat_hbm, zeros_hbm,
                sums_hbm, cnts_hbm,
                rows_v0, rows_v1, ids_v0, ids_v1, probe_v, vals_v, cnt_v,
                acc_sh, lr0, lr1, li0, li1, sa0, sa1, pg):
    rows_v = (rows_v0, rows_v1)
    ids_v = (ids_v0, ids_v1)
    lr = (lr0, lr1)
    li = (li0, li1)
    sa = (sa0, sa1)

    c = lax.axis_index("c")
    s = lax.axis_index("s")
    wid = c * _NS + s

    zbase = s * seg_per_tile
    pltpu.sync_copy(zeros_hbm.at[pl.ds(zbase, seg_per_tile)],
                    acc_sh.at[pl.ds(zbase, seg_per_tile)])
    plsc.subcore_barrier()

    g_lo = wid * ng // _NW
    g_hi = (wid + 1) * ng // _NW

    def start_load(g, b):
      pltpu.async_copy(papers_hbm.at[pl.ds(g * _G, _G)], rows_v[b], lr[b])
      pltpu.async_copy(ids_hbm.at[pl.ds(g, 1)], ids_v[b], li[b])

    for b in range(2):
      @pl.when(g_lo + b < g_hi)
      def _(b=b):
        start_load(g_lo + b, b)

    lane = lax.iota(jnp.int32, _L)
    seg0 = wid * seg_per_w
    targets = [seg0 + 1 + lane, seg0 + _L + 1 + lane,
               seg0 + lane, seg0 + _L + lane]
    zero_v = jnp.zeros((_L,), jnp.int32)
    n_v = zero_v + n_rows

    def body(k, lohi):
      lo, hi = lohi
      searching = k < bs_steps

      @pl.when(searching)
      def _():
        for j in range(4):
          mid = lax.shift_right_logical(lo[j] + hi[j], 1)
          probe_v[pl.ds(j * _L, _L)] = jnp.minimum(mid, n_rows - 1)
        pltpu.async_copy(idsflat_hbm.at[probe_v], vals_v, pg)

      base = g_lo + 2 * k
      for b in range(2):
        g = base + b

        @pl.when(g < g_hi)
        def _(g=g, b=b):
          pltpu.make_async_copy(
              papers_hbm.at[pl.ds(g * _G, _G)], rows_v[b], lr[b]).wait()
          pltpu.make_async_copy(
              ids_hbm.at[pl.ds(g, 1)], ids_v[b], li[b]).wait()
          scat = pltpu.async_copy(
              rows_v[b], acc_sh.at[ids_v[b].at[0]], sa[b], add=True)
          scat.wait()

          @pl.when(g + 2 < g_hi)
          def _():
            start_load(g + 2, b)

      @pl.when(searching)
      def _():
        pltpu.make_async_copy(idsflat_hbm.at[probe_v], vals_v, pg).wait()
      new_lo, new_hi = [], []
      for j in range(4):
        mid = lax.shift_right_logical(lo[j] + hi[j], 1)
        val = vals_v[pl.ds(j * _L, _L)]
        active = lo[j] < hi[j]
        le = val <= targets[j]
        new_lo.append(
            jnp.where(active, jnp.where(le, mid + 1, lo[j]), lo[j]))
        new_hi.append(
            jnp.where(active, jnp.where(le, hi[j], mid), hi[j]))
      return (tuple(new_lo), tuple(new_hi))

    nsteps = (g_hi - g_lo + 1) // 2
    assert (ng // _NW) // 2 >= bs_steps
    lo, _hi = lax.fori_loop(
        0, nsteps, body,
        ((zero_v, zero_v, zero_v, zero_v), (n_v, n_v, n_v, n_v)))

    cnt_v[pl.ds(0, _L)] = (lo[0] - lo[2]).astype(jnp.float32)
    cnt_v[pl.ds(_L, _L)] = (lo[1] - lo[3]).astype(jnp.float32)
    zf = jnp.zeros((_L,), jnp.float32)
    for k in range(2, 8):
      cnt_v[pl.ds(k * _L, _L)] = zf
    pltpu.sync_copy(cnt_v, cnts_hbm.at[wid])

    plsc.subcore_barrier()
    pltpu.sync_copy(acc_sh.at[pl.ds(zbase, seg_per_tile)],
                    sums_hbm.at[c, pl.ds(zbase, seg_per_tile)])

  return sc_kernel


def _combine_body(sums_ref, cnts_ref, out_ref):
  cnt = cnts_ref[...]
  total = sums_ref[0] + sums_ref[1]
  out_ref[...] = total / jnp.maximum(cnt, 1.0)


def kernel(papers, snapshots, segment_ids, cur_snapshot_types, num_segments):
  n, d = papers.shape
  n_seg = snapshots.shape[0]

  ids32 = segment_ids.astype(jnp.int32)
  ids2d = ids32.reshape(n // _G, _G)
  idsflat = ids32 + 1
  zeros = jnp.zeros((n_seg, 128), jnp.float32)

  sums, cnts = _sc_partial_sums(n, n_seg, d)(papers, ids2d, idsflat, zeros)

  cnt_col = cnts[:, :n_seg // _NW].reshape(n_seg, 1)

  mean_out = pl.pallas_call(
      _combine_body,
      out_shape=jax.ShapeDtypeStruct((n_seg, d), jnp.float32),
  )(sums, cnt_col)

  return (mean_out, segment_ids)

# --- scband reference (transcript-rebuilt; emitter-appended) ---
"""Pipeline reference for scband-basic-snapshot-weighter-26319559590625 (READ-ONLY COPY).

The authoritative reference and input builder live on the scoring server;
editing this copy changes nothing except your own understanding.
"""

import jax, jax.numpy as jnp
import numpy as np


def setup_inputs(seed: int = 0) -> dict:
    key = jax.random.key(seed)
    k1, k2, k3, k4 = jax.random.split(key, 4)
    N, B, D = 320000, 1024, 128
    papers = jax.random.normal(k1, (N, D), dtype=jnp.float32)
    segment_ids = jnp.sort(jax.random.randint(k2, (N,), 0, B)).astype(jnp.int64)
    cur_snapshot_types = jax.random.randint(k3, (B,), 0, 4).astype(jnp.int64)
    snapshots = jax.random.normal(k4, (B, D), dtype=jnp.float32)
    return {
        "papers": papers,
        "snapshots": snapshots,
        "segment_ids": segment_ids,
        "cur_snapshot_types": cur_snapshot_types,
        "num_segments": 1024,
    }


def reference(papers, snapshots, segment_ids, cur_snapshot_types, num_segments):
    # Faithful translation of BasicSnapshotWeighter.forward:
    # - bg.batch_num_nodes('paper') expanded to per-node graph index == segment_ids
    # - dgl.readout_nodes(bg, 'h', ntype='paper', op='mean') == segment mean over papers
    # cur_snapshot_types and snapshots are unpacked but unused in the computation.
    num_segments_static = snapshots.shape[0]
    valid = (segment_ids < num_segments).astype(papers.dtype)
    sums = jax.ops.segment_sum(
        papers * valid[:, None], segment_ids, num_segments=num_segments_static
    )
    counts = jax.ops.segment_sum(
        valid,
        segment_ids,
        num_segments=num_segments_static,
    )
    mean_out = sums / jnp.maximum(counts, 1.0)[:, None]
    return (mean_out, segment_ids)

if __name__ == "__main__":
    import jax
    _d = setup_inputs()
    print(jax.jit(kernel)(*tuple(_d.values())))

</pallas_src>

<mosaic_0001>
#map = affine_map<(d0, d1) -> (0, 0)>
#map1 = affine_map<(d0, d1) -> (0)>
#map2 = affine_map<(d0, d1) -> (0, 0, 0)>
module attributes {stable_mosaic.version = 14 : i64} {
  func.func @sc_kernel(%arg0: i32, %arg1: i32, %arg2: memref<320000x128xf32, #tpu.memory_space<hbm>>, %arg3: memref<2500x128xi32, #tpu.memory_space<hbm>>, %arg4: memref<320000xi32, #tpu.memory_space<hbm>>, %arg5: memref<1024x128xf32, #tpu.memory_space<hbm>>, %arg6: memref<2x1024x128xf32, #tpu.memory_space<hbm>>, %arg7: memref<32x128xf32, #tpu.memory_space<hbm>>, %arg8: memref<128x128xf32, #tpu.memory_space<vmem>>, %arg9: memref<128x128xf32, #tpu.memory_space<vmem>>, %arg10: memref<1x128xi32, #tpu.memory_space<vmem>>, %arg11: memref<1x128xi32, #tpu.memory_space<vmem>>, %arg12: memref<64xi32, #tpu.memory_space<vmem>>, %arg13: memref<64xi32, #tpu.memory_space<vmem>>, %arg14: memref<128xf32, #tpu.memory_space<vmem>>, %arg15: memref<1024x128xf32, #tpu.memory_space<vmem_shared>>, %arg16: memref<!tpu.dma_semaphore, #tpu.memory_space<semaphore_mem>>, %arg17: memref<!tpu.dma_semaphore, #tpu.memory_space<semaphore_mem>>, %arg18: memref<!tpu.dma_semaphore, #tpu.memory_space<semaphore_mem>>, %arg19: memref<!tpu.dma_semaphore, #tpu.memory_space<semaphore_mem>>, %arg20: memref<!tpu.dma_semaphore, #tpu.memory_space<semaphore_mem>>, %arg21: memref<!tpu.dma_semaphore, #tpu.memory_space<semaphore_mem>>, %arg22: memref<!tpu.dma_semaphore, #tpu.memory_space<semaphore_mem>>) attributes {dimension_semantics = [#tpu.dimension_semantics<core_parallel>, #tpu.dimension_semantics<subcore_parallel>], iteration_bounds = array<i64: 2, 16>, scalar_prefetch = 0 : i64, scratch_operands = 15 : i64, tpu.core_type = #tpu.core_type<sc_vector_subcore>, window_params = [{transform_indices = #map}, {transform_indices = #map}, {transform_indices = #map1}, {transform_indices = #map}, {transform_indices = #map2}, {transform_indices = #map}]} {
    %mul3A = arith.constant 16 : i32
    %mul3A_0 = arith.muli %arg0, %mul3A : i32
    %add3A = arith.addi %mul3A_0, %arg1 : i32
    %mul3A_1 = arith.constant 64 : i32
    %mul3A_2 = arith.muli %arg1, %mul3A_1 : i32
    "tpu.region"() ({
      %run_scoped3A = tpu.sem_alloc : memref<!tpu.dma_semaphore, #tpu.memory_space<semaphore_mem>>
      %dma_start3A = arith.constant 0 : i32
      %dma_start3A_155 = tpu.memref_slice %arg15[%mul3A_2, %dma_start3A] : memref<1024x128xf32, #tpu.memory_space<vmem_shared>> -> memref<64x128xf32, #tpu.memory_space<vmem_shared>>
      %dma_start3A_156 = arith.constant 0 : i32
      %dma_start3A_157 = tpu.memref_slice %arg5[%mul3A_2, %dma_start3A_156] : memref<1024x128xf32, #tpu.memory_space<hbm>> -> memref<64x128xf32, #tpu.memory_space<hbm>>
      tpu.enqueue_dma source(%dma_start3A_157 : memref<64x128xf32, #tpu.memory_space<hbm>>) target(%dma_start3A_155 : memref<64x128xf32, #tpu.memory_space<vmem_shared>>) target_semaphore(%run_scoped3A : memref<!tpu.dma_semaphore, #tpu.memory_space<semaphore_mem>>)
      %dma_wait3A = arith.constant 0 : i32
      %dma_wait3A_158 = tpu.memref_slice %arg15[%mul3A_2, %dma_wait3A] : memref<1024x128xf32, #tpu.memory_space<vmem_shared>> -> memref<64x128xf32, #tpu.memory_space<vmem_shared>>
      %dma_wait3A_159 = arith.constant 0 : i32
      %dma_wait3A_160 = tpu.memref_slice %arg5[%mul3A_2, %dma_wait3A_159] : memref<1024x128xf32, #tpu.memory_space<hbm>> -> memref<64x128xf32, #tpu.memory_space<hbm>>
      tpu.wait_dma2 semaphore(%run_scoped3A : memref<!tpu.dma_semaphore, #tpu.memory_space<semaphore_mem>>) src(%dma_wait3A_160 : memref<64x128xf32, #tpu.memory_space<hbm>>) dst(%dma_wait3A_158 : memref<64x128xf32, #tpu.memory_space<vmem_shared>>)
      tpu.yield
    }) : () -> ()
    %barrier3A = arith.constant 0 : index
    tpu.barrier barrier_id(%barrier3A)
    %mul3A_3 = arith.constant 2500 : i32
    %mul3A_4 = arith.muli %add3A, %mul3A_3 : i32
    %jit3A = arith.constant 32 : i32
    %div3A = arith.divsi %mul3A_4, %jit3A : i32
    %sign3A = arith.constant 0 : i32
    %sign3A_5 = arith.cmpi sgt, %mul3A_4, %sign3A : i32
    %sign3A_6 = arith.extui %sign3A_5 : i1 to i32
    %sign3A_7 = arith.constant 0 : i32
    %sign3A_8 = arith.cmpi slt, %mul3A_4, %sign3A_7 : i32
    %sign3A_9 = arith.extui %sign3A_8 : i1 to i32
    %sign3A_10 = arith.subi %sign3A_6, %sign3A_9 : i32
    %sign3A_11 = arith.constant 0 : i32
    %sign3A_12 = arith.cmpi sgt, %jit3A, %sign3A_11 : i32
    %sign3A_13 = arith.extui %sign3A_12 : i1 to i32
    %sign3A_14 = arith.constant 0 : i32
    %sign3A_15 = arith.cmpi slt, %jit3A, %sign3A_14 : i32
    %sign3A_16 = arith.extui %sign3A_15 : i1 to i32
    %sign3A_17 = arith.subi %sign3A_13, %sign3A_16 : i32
    %ne3A = arith.cmpi ne, %sign3A_10, %sign3A_17 : i32
    %rem3A = arith.remsi %mul3A_4, %jit3A : i32
    %ne3A_18 = arith.constant 0 : i32
    %ne3A_19 = arith.cmpi ne, %rem3A, %ne3A_18 : i32
    %and3A = arith.andi %ne3A, %ne3A_19 : i1
    %sub3A = arith.constant 1 : i32
    %sub3A_20 = arith.subi %div3A, %sub3A : i32
    %select_n3A = arith.select %and3A, %sub3A_20, %div3A : i32
    %add3A_21 = arith.constant 1 : i32
    %add3A_22 = arith.addi %add3A, %add3A_21 : i32
    %mul3A_23 = arith.constant 2500 : i32
    %mul3A_24 = arith.muli %add3A_22, %mul3A_23 : i32
    %jit3A_25 = arith.constant 32 : i32
    %div3A_26 = arith.divsi %mul3A_24, %jit3A_25 : i32
    %sign3A_27 = arith.constant 0 : i32
    %sign3A_28 = arith.cmpi sgt, %mul3A_24, %sign3A_27 : i32
    %sign3A_29 = arith.extui %sign3A_28 : i1 to i32
    %sign3A_30 = arith.constant 0 : i32
    %sign3A_31 = arith.cmpi slt, %mul3A_24, %sign3A_30 : i32
    %sign3A_32 = arith.extui %sign3A_31 : i1 to i32
    %sign3A_33 = arith.subi %sign3A_29, %sign3A_32 : i32
    %sign3A_34 = arith.constant 0 : i32
    %sign3A_35 = arith.cmpi sgt, %jit3A_25, %sign3A_34 : i32
    %sign3A_36 = arith.extui %sign3A_35 : i1 to i32
    %sign3A_37 = arith.constant 0 : i32
    %sign3A_38 = arith.cmpi slt, %jit3A_25, %sign3A_37 : i32
    %sign3A_39 = arith.extui %sign3A_38 : i1 to i32
    %sign3A_40 = arith.subi %sign3A_36, %sign3A_39 : i32
    %ne3A_41 = arith.cmpi ne, %sign3A_33, %sign3A_40 : i32
    %rem3A_42 = arith.remsi %mul3A_24, %jit3A_25 : i32
    %ne3A_43 = arith.constant 0 : i32
    %ne3A_44 = arith.cmpi ne, %rem3A_42, %ne3A_43 : i32
    %and3A_45 = arith.andi %ne3A_41, %ne3A_44 : i1
    %sub3A_46 = arith.constant 1 : i32
    %sub3A_47 = arith.subi %div3A_26, %sub3A_46 : i32
    %select_n3A_48 = arith.select %and3A_45, %sub3A_47, %div3A_26 : i32
    %add3A_49 = arith.constant 0 : i32
    %add3A_50 = arith.addi %select_n3A, %add3A_49 : i32
    %lt3A = arith.cmpi slt, %add3A_50, %select_n3A_48 : i32
    %convert_element_type3A = arith.extui %lt3A : i1 to i32
    %cond3A = arith.constant 0 : i32
    %cond3A_51 = arith.cmpi ne, %convert_element_type3A, %cond3A : i32
    scf.if %cond3A_51 {
      %add3A_155 = arith.constant 0 : i32
      %add3A_156 = arith.addi %select_n3A, %add3A_155 : i32
      %mul3A_157 = arith.constant 128 : i32
      %mul3A_158 = arith.muli %add3A_156, %mul3A_157 : i32
      %dma_start3A = arith.constant 0 : i32
      %dma_start3A_159 = tpu.memref_slice %arg2[%mul3A_158, %dma_start3A] : memref<320000x128xf32, #tpu.memory_space<hbm>> -> memref<128x128xf32, #tpu.memory_space<hbm>>
      %dma_start3A_160 = arith.constant 0 : i32
      %dma_start3A_161 = tpu.memref_slice %arg2[%mul3A_158, %dma_start3A_160] : memref<320000x128xf32, #tpu.memory_space<hbm>> -> memref<128x128xf32, #tpu.memory_space<hbm>>
      tpu.enqueue_dma source(%dma_start3A_161 : memref<128x128xf32, #tpu.memory_space<hbm>>) target(%arg8 : memref<128x128xf32, #tpu.memory_space<vmem>>) target_semaphore(%arg16 : memref<!tpu.dma_semaphore, #tpu.memory_space<semaphore_mem>>)
      %dma_start3A_162 = arith.constant 0 : i32
      %dma_start3A_163 = tpu.memref_slice %arg3[%add3A_156, %dma_start3A_162] : memref<2500x128xi32, #tpu.memory_space<hbm>> -> memref<1x128xi32, #tpu.memory_space<hbm>>
      %dma_start3A_164 = arith.constant 0 : i32
      %dma_start3A_165 = tpu.memref_slice %arg3[%add3A_156, %dma_start3A_164] : memref<2500x128xi32, #tpu.memory_space<hbm>> -> memref<1x128xi32, #tpu.memory_space<hbm>>
      tpu.enqueue_dma source(%dma_start3A_165 : memref<1x128xi32, #tpu.memory_space<hbm>>) target(%arg10 : memref<1x128xi32, #tpu.memory_space<vmem>>) target_semaphore(%arg18 : memref<!tpu.dma_semaphore, #tpu.memory_space<semaphore_mem>>)
    } else {
    }
    %add3A_52 = arith.constant 1 : i32
    %add3A_53 = arith.addi %select_n3A, %add3A_52 : i32
    %lt3A_54 = arith.cmpi slt, %add3A_53, %select_n3A_48 : i32
    %convert_element_type3A_55 = arith.extui %lt3A_54 : i1 to i32
    %cond3A_56 = arith.constant 0 : i32
    %cond3A_57 = arith.cmpi ne, %convert_element_type3A_55, %cond3A_56 : i32
    scf.if %cond3A_57 {
      %add3A_155 = arith.constant 1 : i32
      %add3A_156 = arith.addi %select_n3A, %add3A_155 : i32
      %mul3A_157 = arith.constant 128 : i32
      %mul3A_158 = arith.muli %add3A_156, %mul3A_157 : i32
      %dma_start3A = arith.constant 0 : i32
      %dma_start3A_159 = tpu.memref_slice %arg2[%mul3A_158, %dma_start3A] : memref<320000x128xf32, #tpu.memory_space<hbm>> -> memref<128x128xf32, #tpu.memory_space<hbm>>
      %dma_start3A_160 = arith.constant 0 : i32
      %dma_start3A_161 = tpu.memref_slice %arg2[%mul3A_158, %dma_start3A_160] : memref<320000x128xf32, #tpu.memory_space<hbm>> -> memref<128x128xf32, #tpu.memory_space<hbm>>
      tpu.enqueue_dma source(%dma_start3A_161 : memref<128x128xf32, #tpu.memory_space<hbm>>) target(%arg9 : memref<128x128xf32, #tpu.memory_space<vmem>>) target_semaphore(%arg17 : memref<!tpu.dma_semaphore, #tpu.memory_space<semaphore_mem>>)
      %dma_start3A_162 = arith.constant 0 : i32
      %dma_start3A_163 = tpu.memref_slice %arg3[%add3A_156, %dma_start3A_162] : memref<2500x128xi32, #tpu.memory_space<hbm>> -> memref<1x128xi32, #tpu.memory_space<hbm>>
      %dma_start3A_164 = arith.constant 0 : i32
      %dma_start3A_165 = tpu.memref_slice %arg3[%add3A_156, %dma_start3A_164] : memref<2500x128xi32, #tpu.memory_space<hbm>> -> memref<1x128xi32, #tpu.memory_space<hbm>>
      tpu.enqueue_dma source(%dma_start3A_165 : memref<1x128xi32, #tpu.memory_space<hbm>>) target(%arg11 : memref<1x128xi32, #tpu.memory_space<vmem>>) target_semaphore(%arg19 : memref<!tpu.dma_semaphore, #tpu.memory_space<semaphore_mem>>)
    } else {
    }
    %iota3A = tpu.iota {dimensions = array<i32: 0>} : vector<16xi32>
    %mul3A_58 = arith.constant 32 : i32
    %mul3A_59 = arith.muli %add3A, %mul3A_58 : i32
    %add3A_60 = arith.constant 1 : i32
    %add3A_61 = arith.addi %mul3A_59, %add3A_60 : i32
    %add3A_62 = vector.broadcast %add3A_61 : i32 to vector<16xi32>
    %add3A_63 = arith.addi %add3A_62, %iota3A : vector<16xi32>
    %add3A_64 = arith.constant 16 : i32
    %add3A_65 = arith.addi %mul3A_59, %add3A_64 : i32
    %add3A_66 = arith.constant 1 : i32
    %add3A_67 = arith.addi %add3A_65, %add3A_66 : i32
    %add3A_68 = vector.broadcast %add3A_67 : i32 to vector<16xi32>
    %add3A_69 = arith.addi %add3A_68, %iota3A : vector<16xi32>
    %add3A_70 = vector.broadcast %mul3A_59 : i32 to vector<16xi32>
    %add3A_71 = arith.addi %add3A_70, %iota3A : vector<16xi32>
    %add3A_72 = arith.constant 16 : i32
    %add3A_73 = arith.addi %mul3A_59, %add3A_72 : i32
    %add3A_74 = vector.broadcast %add3A_73 : i32 to vector<16xi32>
    %add3A_75 = arith.addi %add3A_74, %iota3A : vector<16xi32>
    %broadcast_in_dim3A = arith.constant 0 : i32
    %broadcast_in_dim3A_76 = vector.broadcast %broadcast_in_dim3A : i32 to vector<16xi32>
    %add3A_77 = arith.constant 320000 : i32
    %add3A_78 = vector.broadcast %add3A_77 : i32 to vector<16xi32>
    %add3A_79 = arith.addi %broadcast_in_dim3A_76, %add3A_78 : vector<16xi32>
    %sub3A_80 = arith.subi %select_n3A_48, %select_n3A : i32
    %add3A_81 = arith.constant 1 : i32
    %add3A_82 = arith.addi %sub3A_80, %add3A_81 : i32
    %jit3A_83 = arith.constant 2 : i32
    %div3A_84 = arith.divsi %add3A_82, %jit3A_83 : i32
    %sign3A_85 = arith.constant 0 : i32
    %sign3A_86 = arith.cmpi sgt, %add3A_82, %sign3A_85 : i32
    %sign3A_87 = arith.extui %sign3A_86 : i1 to i32
    %sign3A_88 = arith.constant 0 : i32
    %sign3A_89 = arith.cmpi slt, %add3A_82, %sign3A_88 : i32
    %sign3A_90 = arith.extui %sign3A_89 : i1 to i32
    %sign3A_91 = arith.subi %sign3A_87, %sign3A_90 : i32
    %sign3A_92 = arith.constant 0 : i32
    %sign3A_93 = arith.cmpi sgt, %jit3A_83, %sign3A_92 : i32
    %sign3A_94 = arith.extui %sign3A_93 : i1 to i32
    %sign3A_95 = arith.constant 0 : i32
    %sign3A_96 = arith.cmpi slt, %jit3A_83, %sign3A_95 : i32
    %sign3A_97 = arith.extui %sign3A_96 : i1 to i32
    %sign3A_98 = arith.subi %sign3A_94, %sign3A_97 : i32
    %ne3A_99 = arith.cmpi ne, %sign3A_91, %sign3A_98 : i32
    %rem3A_100 = arith.remsi %add3A_82, %jit3A_83 : i32
    %ne3A_101 = arith.constant 0 : i32
    %ne3A_102 = arith.cmpi ne, %rem3A_100, %ne3A_101 : i32
    %and3A_103 = arith.andi %ne3A_99, %ne3A_102 : i1
    %sub3A_104 = arith.constant 1 : i32
    %sub3A_105 = arith.subi %div3A_84, %sub3A_104 : i32
    %select_n3A_106 = arith.select %and3A_103, %sub3A_105, %div3A_84 : i32
    %while3A = arith.constant 0 : i32
    %while3A_107 = arith.subi %select_n3A_106, %while3A : i32
    %while3A_108 = arith.addi %while3A, %while3A_107 : i32
    %while3A_109 = arith.constant 1 : i32
    %while3A_110 = arith.divsi %while3A_107, %while3A_109 : i32
    %while3A_111 = arith.muli %while3A_110, %while3A_109 : i32
    %while3A_112 = arith.addi %while3A, %while3A_111 : i32
    %while3A_113 = arith.constant 1 : i32
    %while3A_114:8 = scf.for %while3A_155 = %while3A to %while3A_112 step %while3A_113 iter_args(%while3A_156 = %broadcast_in_dim3A_76, %while3A_157 = %broadcast_in_dim3A_76, %while3A_158 = %broadcast_in_dim3A_76, %while3A_159 = %broadcast_in_dim3A_76, %while3A_160 = %add3A_79, %while3A_161 = %add3A_79, %while3A_162 = %add3A_79, %while3A_163 = %add3A_79) -> (vector<16xi32>, vector<16xi32>, vector<16xi32>, vector<16xi32>, vector<16xi32>, vector<16xi32>, vector<16xi32>, vector<16xi32>)  : i32 {
      %lt3A_164 = arith.constant 19 : i32
      %lt3A_165 = arith.cmpi slt, %while3A_155, %lt3A_164 : i32
      %convert_element_type3A_166 = arith.extui %lt3A_165 : i1 to i32
      %cond3A_167 = arith.constant 0 : i32
      %cond3A_168 = arith.cmpi ne, %convert_element_type3A_166, %cond3A_167 : i32
      scf.if %cond3A_168 {
        %add3A_248 = arith.addi %while3A_156, %while3A_160 : vector<16xi32>
        %shift_right_logical3A_249 = arith.constant 1 : i32
        %shift_right_logical3A_250 = vector.broadcast %shift_right_logical3A_249 : i32 to vector<16xi32>
        %shift_right_logical3A_251 = arith.shrui %add3A_248, %shift_right_logical3A_250 : vector<16xi32>
        %min3A = arith.constant 319999 : i32
        %min3A_252 = vector.broadcast %min3A : i32 to vector<16xi32>
        %min3A_253 = arith.minsi %shift_right_logical3A_251, %min3A_252 : vector<16xi32>
        %swap3A_254 = arith.constant 0 : index
        %swap3A_255 = tpu.vector_load %arg12[%swap3A_254] {strides = array<i32>} : memref<64xi32, #tpu.memory_space<vmem>>, vector<16xi32>,
        %swap3A_256 = vector.shape_cast %swap3A_255 : vector<16xi32> to vector<16xi32>
        %swap3A_257 = vector.shape_cast %min3A_253 : vector<16xi32> to vector<16xi32>
        tpu.vector_store %arg12[%swap3A_254], %swap3A_257 {strides = array<i32>} : memref<64xi32, #tpu.memory_space<vmem>>, vector<16xi32>,
        %add3A_258 = arith.addi %while3A_157, %while3A_161 : vector<16xi32>
        %shift_right_logical3A_259 = arith.constant 1 : i32
        %shift_right_logical3A_260 = vector.broadcast %shift_right_logical3A_259 : i32 to vector<16xi32>
        %shift_right_logical3A_261 = arith.shrui %add3A_258, %shift_right_logical3A_260 : vector<16xi32>
        %min3A_262 = arith.constant 319999 : i32
        %min3A_263 = vector.broadcast %min3A_262 : i32 to vector<16xi32>
        %min3A_264 = arith.minsi %shift_right_logical3A_261, %min3A_263 : vector<16xi32>
        %swap3A_265 = arith.constant 16 : index
        %swap3A_266 = tpu.vector_load %arg12[%swap3A_265] {strides = array<i32>} : memref<64xi32, #tpu.memory_space<vmem>>, vector<16xi32>,
        %swap3A_267 = vector.shape_cast %swap3A_266 : vector<16xi32> to vector<16xi32>
        %swap3A_268 = vector.shape_cast %min3A_264 : vector<16xi32> to vector<16xi32>
        tpu.vector_store %arg12[%swap3A_265], %swap3A_268 {strides = array<i32>} : memref<64xi32, #tpu.memory_space<vmem>>, vector<16xi32>,
        %add3A_269 = arith.addi %while3A_158, %while3A_162 : vector<16xi32>
        %shift_right_logical3A_270 = arith.constant 1 : i32
        %shift_right_logical3A_271 = vector.broadcast %shift_right_logical3A_270 : i32 to vector<16xi32>
        %shift_right_logical3A_272 = arith.shrui %add3A_269, %shift_right_logical3A_271 : vector<16xi32>
        %min3A_273 = arith.constant 319999 : i32
        %min3A_274 = vector.broadcast %min3A_273 : i32 to vector<16xi32>
        %min3A_275 = arith.minsi %shift_right_logical3A_272, %min3A_274 : vector<16xi32>
        %swap3A_276 = arith.constant 32 : index
        %swap3A_277 = tpu.vector_load %arg12[%swap3A_276] {strides = array<i32>} : memref<64xi32, #tpu.memory_space<vmem>>, vector<16xi32>,
        %swap3A_278 = vector.shape_cast %swap3A_277 : vector<16xi32> to vector<16xi32>
        %swap3A_279 = vector.shape_cast %min3A_275 : vector<16xi32> to vector<16xi32>
        tpu.vector_store %arg12[%swap3A_276], %swap3A_279 {strides = array<i32>} : memref<64xi32, #tpu.memory_space<vmem>>, vector<16xi32>,
        %add3A_280 = arith.addi %while3A_159, %while3A_163 : vector<16xi32>
        %shift_right_logical3A_281 = arith.constant 1 : i32
        %shift_right_logical3A_282 = vector.broadcast %shift_right_logical3A_281 : i32 to vector<16xi32>
        %shift_right_logical3A_283 = arith.shrui %add3A_280, %shift_right_logical3A_282 : vector<16xi32>
        %min3A_284 = arith.constant 319999 : i32
        %min3A_285 = vector.broadcast %min3A_284 : i32 to vector<16xi32>
        %min3A_286 = arith.minsi %shift_right_logical3A_283, %min3A_285 : vector<16xi32>
        %swap3A_287 = arith.constant 48 : index
        %swap3A_288 = tpu.vector_load %arg12[%swap3A_287] {strides = array<i32>} : memref<64xi32, #tpu.memory_space<vmem>>, vector<16xi32>,
        %swap3A_289 = vector.shape_cast %swap3A_288 : vector<16xi32> to vector<16xi32>
        %swap3A_290 = vector.shape_cast %min3A_286 : vector<16xi32> to vector<16xi32>
        tpu.vector_store %arg12[%swap3A_287], %swap3A_290 {strides = array<i32>} : memref<64xi32, #tpu.memory_space<vmem>>, vector<16xi32>,
        %dma_start3A = arith.constant 0 : i32
        %dma_start3A_291 = tpu.memref_slice %arg4[%dma_start3A] : memref<320000xi32, #tpu.memory_space<hbm>> -> memref<320000xi32, #tpu.memory_space<hbm>>
        tpu.enqueue_indirect_dma source(%dma_start3A_291 : memref<320000xi32, #tpu.memory_space<hbm>>) target(%arg13 : memref<64xi32, #tpu.memory_space<vmem>>) offsets(%arg12 : memref<64xi32, #tpu.memory_space<vmem>>) semaphore(%arg22 : memref<!tpu.dma_semaphore, #tpu.memory_space<semaphore_mem>>)
      } else {
      }
      %mul3A_169 = arith.constant 2 : i32
      %mul3A_170 = arith.muli %mul3A_169, %while3A_155 : i32
      %add3A_171 = arith.addi %select_n3A, %mul3A_170 : i32
      %add3A_172 = arith.constant 0 : i32
      %add3A_173 = arith.addi %add3A_171, %add3A_172 : i32
      %lt3A_174 = arith.cmpi slt, %add3A_173, %select_n3A_48 : i32
      %convert_element_type3A_175 = arith.extui %lt3A_174 : i1 to i32
      %cond3A_176 = arith.constant 0 : i32
      %cond3A_177 = arith.cmpi ne, %convert_element_type3A_175, %cond3A_176 : i32
      scf.if %cond3A_177 {
        %mul3A_248 = arith.constant 128 : i32
        %mul3A_249 = arith.muli %add3A_173, %mul3A_248 : i32
        %dma_wait3A = arith.constant 0 : i32
        %dma_wait3A_250 = tpu.memref_slice %arg2[%mul3A_249, %dma_wait3A] : memref<320000x128xf32, #tpu.memory_space<hbm>> -> memref<128x128xf32, #tpu.memory_space<hbm>>
        %dma_wait3A_251 = arith.constant 0 : i32
        %dma_wait3A_252 = tpu.memref_slice %arg2[%mul3A_249, %dma_wait3A_251] : memref<320000x128xf32, #tpu.memory_space<hbm>> -> memref<128x128xf32, #tpu.memory_space<hbm>>
        tpu.wait_dma2 semaphore(%arg16 : memref<!tpu.dma_semaphore, #tpu.memory_space<semaphore_mem>>) src(%dma_wait3A_252 : memref<128x128xf32, #tpu.memory_space<hbm>>) dst(%arg8 : memref<128x128xf32, #tpu.memory_space<vmem>>)
        %dma_wait3A_253 = arith.constant 0 : i32
        %dma_wait3A_254 = tpu.memref_slice %arg3[%add3A_173, %dma_wait3A_253] : memref<2500x128xi32, #tpu.memory_space<hbm>> -> memref<1x128xi32, #tpu.memory_space<hbm>>
        %dma_wait3A_255 = arith.constant 0 : i32
        %dma_wait3A_256 = tpu.memref_slice %arg3[%add3A_173, %dma_wait3A_255] : memref<2500x128xi32, #tpu.memory_space<hbm>> -> memref<1x128xi32, #tpu.memory_space<hbm>>
        tpu.wait_dma2 semaphore(%arg18 : memref<!tpu.dma_semaphore, #tpu.memory_space<semaphore_mem>>) src(%dma_wait3A_256 : memref<1x128xi32, #tpu.memory_space<hbm>>) dst(%arg10 : memref<1x128xi32, #tpu.memory_space<vmem>>)
        %dma_start3A = arith.constant 0 : i32
        %dma_start3A_257 = arith.constant 0 : i32
        %dma_start3A_258 = tpu.memref_slice %arg10[%dma_start3A, %dma_start3A_257] : memref<1x128xi32, #tpu.memory_space<vmem>> -> memref<1x128xi32, #tpu.memory_space<vmem>>
        %dma_start3A_259 = tpu.memref_squeeze %dma_start3A_258 : memref<1x128xi32, #tpu.memory_space<vmem>> -> memref<128xi32, #tpu.memory_space<vmem>>
        %dma_start3A_260 = arith.constant 0 : i32
        %dma_start3A_261 = arith.constant 0 : i32
        %dma_start3A_262 = tpu.memref_slice %arg15[%dma_start3A_260, %dma_start3A_261] : memref<1024x128xf32, #tpu.memory_space<vmem_shared>> -> memref<1024x128xf32, #tpu.memory_space<vmem_shared>>
        tpu.enqueue_indirect_dma source(%arg8 : memref<128x128xf32, #tpu.memory_space<vmem>>) target(%dma_start3A_262 : memref<1024x128xf32, #tpu.memory_space<vmem_shared>>) offsets(%dma_start3A_259 : memref<128xi32, #tpu.memory_space<vmem>>) semaphore(%arg20 : memref<!tpu.dma_semaphore, #tpu.memory_space<semaphore_mem>>) {add = true}
        %dma_wait3A_263 = arith.constant 0 : i32
        %dma_wait3A_264 = arith.constant 0 : i32
        %dma_wait3A_265 = tpu.memref_slice %arg10[%dma_wait3A_263, %dma_wait3A_264] : memref<1x128xi32, #tpu.memory_space<vmem>> -> memref<1x128xi32, #tpu.memory_space<vmem>>
        %dma_wait3A_266 = tpu.memref_squeeze %dma_wait3A_265 : memref<1x128xi32, #tpu.memory_space<vmem>> -> memref<128xi32, #tpu.memory_space<vmem>>
        %dma_wait3A_267 = arith.constant 0 : i32
        %dma_wait3A_268 = arith.constant 0 : i32
        %dma_wait3A_269 = tpu.memref_slice %arg15[%dma_wait3A_267, %dma_wait3A_268] : memref<1024x128xf32, #tpu.memory_space<vmem_shared>> -> memref<1024x128xf32, #tpu.memory_space<vmem_shared>>
        tpu.wait_indirect_dma semaphore(%arg20 : memref<!tpu.dma_semaphore, #tpu.memory_space<semaphore_mem>>) src(%arg8 : memref<128x128xf32, #tpu.memory_space<vmem>>) dst(%dma_wait3A_269 : memref<1024x128xf32, #tpu.memory_space<vmem_shared>>)
        %add3A_270 = arith.constant 2 : i32
        %add3A_271 = arith.addi %add3A_173, %add3A_270 : i32
        %lt3A_272 = arith.cmpi slt, %add3A_271, %select_n3A_48 : i32
        %convert_element_type3A_273 = arith.extui %lt3A_272 : i1 to i32
        %cond3A_274 = arith.constant 0 : i32
        %cond3A_275 = arith.cmpi ne, %convert_element_type3A_273, %cond3A_274 : i32
        scf.if %cond3A_275 {
          %add3A_276 = arith.constant 2 : i32
          %add3A_277 = arith.addi %add3A_173, %add3A_276 : i32
          %mul3A_278 = arith.constant 128 : i32
          %mul3A_279 = arith.muli %add3A_277, %mul3A_278 : i32
          %dma_start3A_280 = arith.constant 0 : i32
          %dma_start3A_281 = tpu.memref_slice %arg2[%mul3A_279, %dma_start3A_280] : memref<320000x128xf32, #tpu.memory_space<hbm>> -> memref<128x128xf32, #tpu.memory_space<hbm>>
          %dma_start3A_282 = arith.constant 0 : i32
          %dma_start3A_283 = tpu.memref_slice %arg2[%mul3A_279, %dma_start3A_282] : memref<320000x128xf32, #tpu.memory_space<hbm>> -> memref<128x128xf32, #tpu.memory_space<hbm>>
          tpu.enqueue_dma source(%dma_start3A_283 : memref<128x128xf32, #tpu.memory_space<hbm>>) target(%arg8 : memref<128x128xf32, #tpu.memory_space<vmem>>) target_semaphore(%arg16 : memref<!tpu.dma_semaphore, #tpu.memory_space<semaphore_mem>>)
          %dma_start3A_284 = arith.constant 0 : i32
          %dma_start3A_285 = tpu.memref_slice %arg3[%add3A_277, %dma_start3A_284] : memref<2500x128xi32, #tpu.memory_space<hbm>> -> memref<1x128xi32, #tpu.memory_space<hbm>>
          %dma_start3A_286 = arith.constant 0 : i32
          %dma_start3A_287 = tpu.memref_slice %arg3[%add3A_277, %dma_start3A_286] : memref<2500x128xi32, #tpu.memory_space<hbm>> -> memref<1x128xi32, #tpu.memory_space<hbm>>
          tpu.enqueue_dma source(%dma_start3A_287 : memref<1x128xi32, #tpu.memory_space<hbm>>) target(%arg10 : memref<1x128xi32, #tpu.memory_space<vmem>>) target_semaphore(%arg18 : memref<!tpu.dma_semaphore, #tpu.memory_space<semaphore_mem>>)
        } else {
        }
      } else {
      }
      %add3A_178 = arith.constant 1 : i32
      %add3A_179 = arith.addi %add3A_171, %add3A_178 : i32
      %lt3A_180 = arith.cmpi slt, %add3A_179, %select_n3A_48 : i32
      %convert_element_type3A_181 = arith.extui %lt3A_180 : i1 to i32
      %cond3A_182 = arith.constant 0 : i32
      %cond3A_183 = arith.cmpi ne, %convert_element_type3A_181, %cond3A_182 : i32
      scf.if %cond3A_183 {
        %mul3A_248 = arith.constant 128 : i32
        %mul3A_249 = arith.muli %add3A_179, %mul3A_248 : i32
        %dma_wait3A = arith.constant 0 : i32
        %dma_wait3A_250 = tpu.memref_slice %arg2[%mul3A_249, %dma_wait3A] : memref<320000x128xf32, #tpu.memory_space<hbm>> -> memref<128x128xf32, #tpu.memory_space<hbm>>
        %dma_wait3A_251 = arith.constant 0 : i32
        %dma_wait3A_252 = tpu.memref_slice %arg2[%mul3A_249, %dma_wait3A_251] : memref<320000x128xf32, #tpu.memory_space<hbm>> -> memref<128x128xf32, #tpu.memory_space<hbm>>
        tpu.wait_dma2 semaphore(%arg17 : memref<!tpu.dma_semaphore, #tpu.memory_space<semaphore_mem>>) src(%dma_wait3A_252 : memref<128x128xf32, #tpu.memory_space<hbm>>) dst(%arg9 : memref<128x128xf32, #tpu.memory_space<vmem>>)
        %dma_wait3A_253 = arith.constant 0 : i32
        %dma_wait3A_254 = tpu.memref_slice %arg3[%add3A_179, %dma_wait3A_253] : memref<2500x128xi32, #tpu.memory_space<hbm>> -> memref<1x128xi32, #tpu.memory_space<hbm>>
        %dma_wait3A_255 = arith.constant 0 : i32
        %dma_wait3A_256 = tpu.memref_slice %arg3[%add3A_179, %dma_wait3A_255] : memref<2500x128xi32, #tpu.memory_space<hbm>> -> memref<1x128xi32, #tpu.memory_space<hbm>>
        tpu.wait_dma2 semaphore(%arg19 : memref<!tpu.dma_semaphore, #tpu.memory_space<semaphore_mem>>) src(%dma_wait3A_256 : memref<1x128xi32, #tpu.memory_space<hbm>>) dst(%arg11 : memref<1x128xi32, #tpu.memory_space<vmem>>)
        %dma_start3A = arith.constant 0 : i32
        %dma_start3A_257 = arith.constant 0 : i32
        %dma_start3A_258 = tpu.memref_slice %arg11[%dma_start3A, %dma_start3A_257] : memref<1x128xi32, #tpu.memory_space<vmem>> -> memref<1x128xi32, #tpu.memory_space<vmem>>
        %dma_start3A_259 = tpu.memref_squeeze %dma_start3A_258 : memref<1x128xi32, #tpu.memory_space<vmem>> -> memref<128xi32, #tpu.memory_space<vmem>>
        %dma_start3A_260 = arith.constant 0 : i32
        %dma_start3A_261 = arith.constant 0 : i32
        %dma_start3A_262 = tpu.memref_slice %arg15[%dma_start3A_260, %dma_start3A_261] : memref<1024x128xf32, #tpu.memory_space<vmem_shared>> -> memref<1024x128xf32, #tpu.memory_space<vmem_shared>>
        tpu.enqueue_indirect_dma source(%arg9 : memref<128x128xf32, #tpu.memory_space<vmem>>) target(%dma_start3A_262 : memref<1024x128xf32, #tpu.memory_space<vmem_shared>>) offsets(%dma_start3A_259 : memref<128xi32, #tpu.memory_space<vmem>>) semaphore(%arg21 : memref<!tpu.dma_semaphore, #tpu.memory_space<semaphore_mem>>) {add = true}
        %dma_wait3A_263 = arith.constant 0 : i32
        %dma_wait3A_264 = arith.constant 0 : i32
        %dma_wait3A_265 = tpu.memref_slice %arg11[%dma_wait3A_263, %dma_wait3A_264] : memref<1x128xi32, #tpu.memory_space<vmem>> -> memref<1x128xi32, #tpu.memory_space<vmem>>
        %dma_wait3A_266 = tpu.memref_squeeze %dma_wait3A_265 : memref<1x128xi32, #tpu.memory_space<vmem>> -> memref<128xi32, #tpu.memory_space<vmem>>
        %dma_wait3A_267 = arith.constant 0 : i32
        %dma_wait3A_268 = arith.constant 0 : i32
        %dma_wait3A_269 = tpu.memref_slice %arg15[%dma_wait3A_267, %dma_wait3A_268] : memref<1024x128xf32, #tpu.memory_space<vmem_shared>> -> memref<1024x128xf32, #tpu.memory_space<vmem_shared>>
        tpu.wait_indirect_dma semaphore(%arg21 : memref<!tpu.dma_semaphore, #tpu.memory_space<semaphore_mem>>) src(%arg9 : memref<128x128xf32, #tpu.memory_space<vmem>>) dst(%dma_wait3A_269 : memref<1024x128xf32, #tpu.memory_space<vmem_shared>>)
        %add3A_270 = arith.constant 2 : i32
        %add3A_271 = arith.addi %add3A_179, %add3A_270 : i32
        %lt3A_272 = arith.cmpi slt, %add3A_271, %select_n3A_48 : i32
        %convert_element_type3A_273 = arith.extui %lt3A_272 : i1 to i32
        %cond3A_274 = arith.constant 0 : i32
        %cond3A_275 = arith.cmpi ne, %convert_element_type3A_273, %cond3A_274 : i32
        scf.if %cond3A_275 {
          %add3A_276 = arith.constant 2 : i32
          %add3A_277 = arith.addi %add3A_179, %add3A_276 : i32
          %mul3A_278 = arith.constant 128 : i32
          %mul3A_279 = arith.muli %add3A_277, %mul3A_278 : i32
          %dma_start3A_280 = arith.constant 0 : i32
          %dma_start3A_281 = tpu.memref_slice %arg2[%mul3A_279, %dma_start3A_280] : memref<320000x128xf32, #tpu.memory_space<hbm>> -> memref<128x128xf32, #tpu.memory_space<hbm>>
          %dma_start3A_282 = arith.constant 0 : i32
          %dma_start3A_283 = tpu.memref_slice %arg2[%mul3A_279, %dma_start3A_282] : memref<320000x128xf32, #tpu.memory_space<hbm>> -> memref<128x128xf32, #tpu.memory_space<hbm>>
          tpu.enqueue_dma source(%dma_start3A_283 : memref<128x128xf32, #tpu.memory_space<hbm>>) target(%arg9 : memref<128x128xf32, #tpu.memory_space<vmem>>) target_semaphore(%arg17 : memref<!tpu.dma_semaphore, #tpu.memory_space<semaphore_mem>>)
          %dma_start3A_284 = arith.constant 0 : i32
          %dma_start3A_285 = tpu.memref_slice %arg3[%add3A_277, %dma_start3A_284] : memref<2500x128xi32, #tpu.memory_space<hbm>> -> memref<1x128xi32, #tpu.memory_space<hbm>>
          %dma_start3A_286 = arith.constant 0 : i32
          %dma_start3A_287 = tpu.memref_slice %arg3[%add3A_277, %dma_start3A_286] : memref<2500x128xi32, #tpu.memory_space<hbm>> -> memref<1x128xi32, #tpu.memory_space<hbm>>
          tpu.enqueue_dma source(%dma_start3A_287 : memref<1x128xi32, #tpu.memory_space<hbm>>) target(%arg11 : memref<1x128xi32, #tpu.memory_space<vmem>>) target_semaphore(%arg19 : memref<!tpu.dma_semaphore, #tpu.memory_space<semaphore_mem>>)
        } else {
        }
      } else {
      }
      %convert_element_type3A_184 = arith.extui %lt3A_165 : i1 to i32
      %cond3A_185 = arith.constant 0 : i32
      %cond3A_186 = arith.cmpi ne, %convert_element_type3A_184, %cond3A_185 : i32
      scf.if %cond3A_186 {
        %dma_wait3A = arith.constant 0 : i32
        %dma_wait3A_248 = tpu.memref_slice %arg4[%dma_wait3A] : memref<320000xi32, #tpu.memory_space<hbm>> -> memref<320000xi32, #tpu.memory_space<hbm>>
        tpu.wait_indirect_dma semaphore(%arg22 : memref<!tpu.dma_semaphore, #tpu.memory_space<semaphore_mem>>) src(%dma_wait3A_248 : memref<320000xi32, #tpu.memory_space<hbm>>) dst(%arg13 : memref<64xi32, #tpu.memory_space<vmem>>)
      } else {
      }
      %add3A_187 = arith.addi %while3A_156, %while3A_160 : vector<16xi32>
      %shift_right_logical3A = arith.constant 1 : i32
      %shift_right_logical3A_188 = vector.broadcast %shift_right_logical3A : i32 to vector<16xi32>
      %shift_right_logical3A_189 = arith.shrui %add3A_187, %shift_right_logical3A_188 : vector<16xi32>
      %get3A = arith.constant 0 : index
      %get3A_190 = tpu.vector_load %arg13[%get3A] {strides = array<i32>} : memref<64xi32, #tpu.memory_space<vmem>>, vector<16xi32>,
      %get3A_191 = vector.shape_cast %get3A_190 : vector<16xi32> to vector<16xi32>
      %lt3A_192 = arith.cmpi slt, %while3A_156, %while3A_160 : vector<16xi32>
      %le3A = arith.cmpi sle, %get3A_191, %add3A_63 : vector<16xi32>
      %add3A_193 = arith.constant 1 : i32
      %add3A_194 = vector.broadcast %add3A_193 : i32 to vector<16xi32>
      %add3A_195 = arith.addi %shift_right_logical3A_189, %add3A_194 : vector<16xi32>
      %select_n3A_196 = arith.select %le3A, %add3A_195, %while3A_156 : vector<16xi1>, vector<16xi32>
      %select_n3A_197 = arith.select %lt3A_192, %select_n3A_196, %while3A_156 : vector<16xi1>, vector<16xi32>
      %select_n3A_198 = arith.select %le3A, %while3A_160, %shift_right_logical3A_189 : vector<16xi1>, vector<16xi32>
      %select_n3A_199 = arith.select %lt3A_192, %select_n3A_198, %while3A_160 : vector<16xi1>, vector<16xi32>
      %add3A_200 = arith.addi %while3A_157, %while3A_161 : vector<16xi32>
      %shift_right_logical3A_201 = arith.constant 1 : i32
      %shift_right_logical3A_202 = vector.broadcast %shift_right_logical3A_201 : i32 to vector<16xi32>
      %shift_right_logical3A_203 = arith.shrui %add3A_200, %shift_right_logical3A_202 : vector<16xi32>
      %get3A_204 = arith.constant 16 : index
      %get3A_205 = tpu.vector_load %arg13[%get3A_204] {strides = array<i32>} : memref<64xi32, #tpu.memory_space<vmem>>, vector<16xi32>,
      %get3A_206 = vector.shape_cast %get3A_205 : vector<16xi32> to vector<16xi32>
      %lt3A_207 = arith.cmpi slt, %while3A_157, %while3A_161 : vector<16xi32>
      %le3A_208 = arith.cmpi sle, %get3A_206, %add3A_69 : vector<16xi32>
      %add3A_209 = arith.constant 1 : i32
      %add3A_210 = vector.broadcast %add3A_209 : i32 to vector<16xi32>
      %add3A_211 = arith.addi %shift_right_logical3A_203, %add3A_210 : vector<16xi32>
      %select_n3A_212 = arith.select %le3A_208, %add3A_211, %while3A_157 : vector<16xi1>, vector<16xi32>
      %select_n3A_213 = arith.select %lt3A_207, %select_n3A_212, %while3A_157 : vector<16xi1>, vector<16xi32>
      %select_n3A_214 = arith.select %le3A_208, %while3A_161, %shift_right_logical3A_203 : vector<16xi1>, vector<16xi32>
      %select_n3A_215 = arith.select %lt3A_207, %select_n3A_214, %while3A_161 : vector<16xi1>, vector<16xi32>
      %add3A_216 = arith.addi %while3A_158, %while3A_162 : vector<16xi32>
      %shift_right_logical3A_217 = arith.constant 1 : i32
      %shift_right_logical3A_218 = vector.broadcast %shift_right_logical3A_217 : i32 to vector<16xi32>
      %shift_right_logical3A_219 = arith.shrui %add3A_216, %shift_right_logical3A_218 : vector<16xi32>
      %get3A_220 = arith.constant 32 : index
      %get3A_221 = tpu.vector_load %arg13[%get3A_220] {strides = array<i32>} : memref<64xi32, #tpu.memory_space<vmem>>, vector<16xi32>,
      %get3A_222 = vector.shape_cast %get3A_221 : vector<16xi32> to vector<16xi32>
      %lt3A_223 = arith.cmpi slt, %while3A_158, %while3A_162 : vector<16xi32>
      %le3A_224 = arith.cmpi sle, %get3A_222, %add3A_71 : vector<16xi32>
      %add3A_225 = arith.constant 1 : i32
      %add3A_226 = vector.broadcast %add3A_225 : i32 to vector<16xi32>
      %add3A_227 = arith.addi %shift_right_logical3A_219, %add3A_226 : vector<16xi32>
      %select_n3A_228 = arith.select %le3A_224, %add3A_227, %while3A_158 : vector<16xi1>, vector<16xi32>
      %select_n3A_229 = arith.select %lt3A_223, %select_n3A_228, %while3A_158 : vector<16xi1>, vector<16xi32>
      %select_n3A_230 = arith.select %le3A_224, %while3A_162, %shift_right_logical3A_219 : vector<16xi1>, vector<16xi32>
      %select_n3A_231 = arith.select %lt3A_223, %select_n3A_230, %while3A_162 : vector<16xi1>, vector<16xi32>
      %add3A_232 = arith.addi %while3A_159, %while3A_163 : vector<16xi32>
      %shift_right_logical3A_233 = arith.constant 1 : i32
      %shift_right_logical3A_234 = vector.broadcast %shift_right_logical3A_233 : i32 to vector<16xi32>
      %shift_right_logical3A_235 = arith.shrui %add3A_232, %shift_right_logical3A_234 : vector<16xi32>
      %get3A_236 = arith.constant 48 : index
      %get3A_237 = tpu.vector_load %arg13[%get3A_236] {strides = array<i32>} : memref<64xi32, #tpu.memory_space<vmem>>, vector<16xi32>,
      %get3A_238 = vector.shape_cast %get3A_237 : vector<16xi32> to vector<16xi32>
      %lt3A_239 = arith.cmpi slt, %while3A_159, %while3A_163 : vector<16xi32>
      %le3A_240 = arith.cmpi sle, %get3A_238, %add3A_75 : vector<16xi32>
      %add3A_241 = arith.constant 1 : i32
      %add3A_242 = vector.broadcast %add3A_241 : i32 to vector<16xi32>
      %add3A_243 = arith.addi %shift_right_logical3A_235, %add3A_242 : vector<16xi32>
      %select_n3A_244 = arith.select %le3A_240, %add3A_243, %while3A_159 : vector<16xi1>, vector<16xi32>
      %select_n3A_245 = arith.select %lt3A_239, %select_n3A_244, %while3A_159 : vector<16xi1>, vector<16xi32>
      %select_n3A_246 = arith.select %le3A_240, %while3A_163, %shift_right_logical3A_235 : vector<16xi1>, vector<16xi32>
      %select_n3A_247 = arith.select %lt3A_239, %select_n3A_246, %while3A_163 : vector<16xi1>, vector<16xi32>
      scf.yield %select_n3A_197, %select_n3A_213, %select_n3A_229, %select_n3A_245, %select_n3A_199, %select_n3A_215, %select_n3A_231, %select_n3A_247 : vector<16xi32>, vector<16xi32>, vector<16xi32>, vector<16xi32>, vector<16xi32>, vector<16xi32>, vector<16xi32>, vector<16xi32>
    }
    %while3A_115 = arith.constant 1 : i32
    %while3A_116:8 = scf.for %while3A_155 = %while3A_112 to %while3A_108 step %while3A_115 iter_args(%while3A_156 = %while3A_114#0, %while3A_157 = %while3A_114#1, %while3A_158 = %while3A_114#2, %while3A_159 = %while3A_114#3, %while3A_160 = %while3A_114#4, %while3A_161 = %while3A_114#5, %while3A_162 = %while3A_114#6, %while3A_163 = %while3A_114#7) -> (vector<16xi32>, vector<16xi32>, vector<16xi32>, vector<16xi32>, vector<16xi32>, vector<16xi32>, vector<16xi32>, vector<16xi32>)  : i32 {
      %lt3A_164 = arith.constant 19 : i32
      %lt3A_165 = arith.cmpi slt, %while3A_155, %lt3A_164 : i32
      %convert_element_type3A_166 = arith.extui %lt3A_165 : i1 to i32
      %cond3A_167 = arith.constant 0 : i32
      %cond3A_168 = arith.cmpi ne, %convert_element_type3A_166, %cond3A_167 : i32
      scf.if %cond3A_168 {
        %add3A_248 = arith.addi %while3A_156, %while3A_160 : vector<16xi32>
        %shift_right_logical3A_249 = arith.constant 1 : i32
        %shift_right_logical3A_250 = vector.broadcast %shift_right_logical3A_249 : i32 to vector<16xi32>
        %shift_right_logical3A_251 = arith.shrui %add3A_248, %shift_right_logical3A_250 : vector<16xi32>
        %min3A = arith.constant 319999 : i32
        %min3A_252 = vector.broadcast %min3A : i32 to vector<16xi32>
        %min3A_253 = arith.minsi %shift_right_logical3A_251, %min3A_252 : vector<16xi32>
        %swap3A_254 = arith.constant 0 : index
        %swap3A_255 = tpu.vector_load %arg12[%swap3A_254] {strides = array<i32>} : memref<64xi32, #tpu.memory_space<vmem>>, vector<16xi32>,
        %swap3A_256 = vector.shape_cast %swap3A_255 : vector<16xi32> to vector<16xi32>
        %swap3A_257 = vector.shape_cast %min3A_253 : vector<16xi32> to vector<16xi32>
        tpu.vector_store %arg12[%swap3A_254], %swap3A_257 {strides = array<i32>} : memref<64xi32, #tpu.memory_space<vmem>>, vector<16xi32>,
        %add3A_258 = arith.addi %while3A_157, %while3A_161 : vector<16xi32>
        %shift_right_logical3A_259 = arith.constant 1 : i32
        %shift_right_logical3A_260 = vector.broadcast %shift_right_logical3A_259 : i32 to vector<16xi32>
        %shift_right_logical3A_261 = arith.shrui %add3A_258, %shift_right_logical3A_260 : vector<16xi32>
        %min3A_262 = arith.constant 319999 : i32
        %min3A_263 = vector.broadcast %min3A_262 : i32 to vector<16xi32>
        %min3A_264 = arith.minsi %shift_right_logical3A_261, %min3A_263 : vector<16xi32>
        %swap3A_265 = arith.constant 16 : index
        %swap3A_266 = tpu.vector_load %arg12[%swap3A_265] {strides = array<i32>} : memref<64xi32, #tpu.memory_space<vmem>>, vector<16xi32>,
        %swap3A_267 = vector.shape_cast %swap3A_266 : vector<16xi32> to vector<16xi32>
        %swap3A_268 = vector.shape_cast %min3A_264 : vector<16xi32> to vector<16xi32>
        tpu.vector_store %arg12[%swap3A_265], %swap3A_268 {strides = array<i32>} : memref<64xi32, #tpu.memory_space<vmem>>, vector<16xi32>,
        %add3A_269 = arith.addi %while3A_158, %while3A_162 : vector<16xi32>
        %shift_right_logical3A_270 = arith.constant 1 : i32
        %shift_right_logical3A_271 = vector.broadcast %shift_right_logical3A_270 : i32 to vector<16xi32>
        %shift_right_logical3A_272 = arith.shrui %add3A_269, %shift_right_logical3A_271 : vector<16xi32>
        %min3A_273 = arith.constant 319999 : i32
        %min3A_274 = vector.broadcast %min3A_273 : i32 to vector<16xi32>
        %min3A_275 = arith.minsi %shift_right_logical3A_272, %min3A_274 : vector<16xi32>
        %swap3A_276 = arith.constant 32 : index
        %swap3A_277 = tpu.vector_load %arg12[%swap3A_276] {strides = array<i32>} : memref<64xi32, #tpu.memory_space<vmem>>, vector<16xi32>,
        %swap3A_278 = vector.shape_cast %swap3A_277 : vector<16xi32> to vector<16xi32>
        %swap3A_279 = vector.shape_cast %min3A_275 : vector<16xi32> to vector<16xi32>
        tpu.vector_store %arg12[%swap3A_276], %swap3A_279 {strides = array<i32>} : memref<64xi32, #tpu.memory_space<vmem>>, vector<16xi32>,
        %add3A_280 = arith.addi %while3A_159, %while3A_163 : vector<16xi32>
        %shift_right_logical3A_281 = arith.constant 1 : i32
        %shift_right_logical3A_282 = vector.broadcast %shift_right_logical3A_281 : i32 to vector<16xi32>
        %shift_right_logical3A_283 = arith.shrui %add3A_280, %shift_right_logical3A_282 : vector<16xi32>
        %min3A_284 = arith.constant 319999 : i32
        %min3A_285 = vector.broadcast %min3A_284 : i32 to vector<16xi32>
        %min3A_286 = arith.minsi %shift_right_logical3A_283, %min3A_285 : vector<16xi32>
        %swap3A_287 = arith.constant 48 : index
        %swap3A_288 = tpu.vector_load %arg12[%swap3A_287] {strides = array<i32>} : memref<64xi32, #tpu.memory_space<vmem>>, vector<16xi32>,
        %swap3A_289 = vector.shape_cast %swap3A_288 : vector<16xi32> to vector<16xi32>
        %swap3A_290 = vector.shape_cast %min3A_286 : vector<16xi32> to vector<16xi32>
        tpu.vector_store %arg12[%swap3A_287], %swap3A_290 {strides = array<i32>} : memref<64xi32, #tpu.memory_space<vmem>>, vector<16xi32>,
        %dma_start3A = arith.constant 0 : i32
        %dma_start3A_291 = tpu.memref_slice %arg4[%dma_start3A] : memref<320000xi32, #tpu.memory_space<hbm>> -> memref<320000xi32, #tpu.memory_space<hbm>>
        tpu.enqueue_indirect_dma source(%dma_start3A_291 : memref<320000xi32, #tpu.memory_space<hbm>>) target(%arg13 : memref<64xi32, #tpu.memory_space<vmem>>) offsets(%arg12 : memref<64xi32, #tpu.memory_space<vmem>>) semaphore(%arg22 : memref<!tpu.dma_semaphore, #tpu.memory_space<semaphore_mem>>)
      } else {
      }
      %mul3A_169 = arith.constant 2 : i32
      %mul3A_170 = arith.muli %mul3A_169, %while3A_155 : i32
      %add3A_171 = arith.addi %select_n3A, %mul3A_170 : i32
      %add3A_172 = arith.constant 0 : i32
      %add3A_173 = arith.addi %add3A_171, %add3A_172 : i32
      %lt3A_174 = arith.cmpi slt, %add3A_173, %select_n3A_48 : i32
      %convert_element_type3A_175 = arith.extui %lt3A_174 : i1 to i32
      %cond3A_176 = arith.constant 0 : i32
      %cond3A_177 = arith.cmpi ne, %convert_element_type3A_175, %cond3A_176 : i32
      scf.if %cond3A_177 {
        %mul3A_248 = arith.constant 128 : i32
        %mul3A_249 = arith.muli %add3A_173, %mul3A_248 : i32
        %dma_wait3A = arith.constant 0 : i32
        %dma_wait3A_250 = tpu.memref_slice %arg2[%mul3A_249, %dma_wait3A] : memref<320000x128xf32, #tpu.memory_space<hbm>> -> memref<128x128xf32, #tpu.memory_space<hbm>>
        %dma_wait3A_251 = arith.constant 0 : i32
        %dma_wait3A_252 = tpu.memref_slice %arg2[%mul3A_249, %dma_wait3A_251] : memref<320000x128xf32, #tpu.memory_space<hbm>> -> memref<128x128xf32, #tpu.memory_space<hbm>>
        tpu.wait_dma2 semaphore(%arg16 : memref<!tpu.dma_semaphore, #tpu.memory_space<semaphore_mem>>) src(%dma_wait3A_252 : memref<128x128xf32, #tpu.memory_space<hbm>>) dst(%arg8 : memref<128x128xf32, #tpu.memory_space<vmem>>)
        %dma_wait3A_253 = arith.constant 0 : i32
        %dma_wait3A_254 = tpu.memref_slice %arg3[%add3A_173, %dma_wait3A_253] : memref<2500x128xi32, #tpu.memory_space<hbm>> -> memref<1x128xi32, #tpu.memory_space<hbm>>
        %dma_wait3A_255 = arith.constant 0 : i32
        %dma_wait3A_256 = tpu.memref_slice %arg3[%add3A_173, %dma_wait3A_255] : memref<2500x128xi32, #tpu.memory_space<hbm>> -> memref<1x128xi32, #tpu.memory_space<hbm>>
        tpu.wait_dma2 semaphore(%arg18 : memref<!tpu.dma_semaphore, #tpu.memory_space<semaphore_mem>>) src(%dma_wait3A_256 : memref<1x128xi32, #tpu.memory_space<hbm>>) dst(%arg10 : memref<1x128xi32, #tpu.memory_space<vmem>>)
        %dma_start3A = arith.constant 0 : i32
        %dma_start3A_257 = arith.constant 0 : i32
        %dma_start3A_258 = tpu.memref_slice %arg10[%dma_start3A, %dma_start3A_257] : memref<1x128xi32, #tpu.memory_space<vmem>> -> memref<1x128xi32, #tpu.memory_space<vmem>>
        %dma_start3A_259 = tpu.memref_squeeze %dma_start3A_258 : memref<1x128xi32, #tpu.memory_space<vmem>> -> memref<128xi32, #tpu.memory_space<vmem>>
        %dma_start3A_260 = arith.constant 0 : i32
        %dma_start3A_261 = arith.constant 0 : i32
        %dma_start3A_262 = tpu.memref_slice %arg15[%dma_start3A_260, %dma_start3A_261] : memref<1024x128xf32, #tpu.memory_space<vmem_shared>> -> memref<1024x128xf32, #tpu.memory_space<vmem_shared>>
        tpu.enqueue_indirect_dma source(%arg8 : memref<128x128xf32, #tpu.memory_space<vmem>>) target(%dma_start3A_262 : memref<1024x128xf32, #tpu.memory_space<vmem_shared>>) offsets(%dma_start3A_259 : memref<128xi32, #tpu.memory_space<vmem>>) semaphore(%arg20 : memref<!tpu.dma_semaphore, #tpu.memory_space<semaphore_mem>>) {add = true}
        %dma_wait3A_263 = arith.constant 0 : i32
        %dma_wait3A_264 = arith.constant 0 : i32
        %dma_wait3A_265 = tpu.memref_slice %arg10[%dma_wait3A_263, %dma_wait3A_264] : memref<1x128xi32, #tpu.memory_space<vmem>> -> memref<1x128xi32, #tpu.memory_space<vmem>>
        %dma_wait3A_266 = tpu.memref_squeeze %dma_wait3A_265 : memref<1x128xi32, #tpu.memory_space<vmem>> -> memref<128xi32, #tpu.memory_space<vmem>>
        %dma_wait3A_267 = arith.constant 0 : i32
        %dma_wait3A_268 = arith.constant 0 : i32
        %dma_wait3A_269 = tpu.memref_slice %arg15[%dma_wait3A_267, %dma_wait3A_268] : memref<1024x128xf32, #tpu.memory_space<vmem_shared>> -> memref<1024x128xf32, #tpu.memory_space<vmem_shared>>
        tpu.wait_indirect_dma semaphore(%arg20 : memref<!tpu.dma_semaphore, #tpu.memory_space<semaphore_mem>>) src(%arg8 : memref<128x128xf32, #tpu.memory_space<vmem>>) dst(%dma_wait3A_269 : memref<1024x128xf32, #tpu.memory_space<vmem_shared>>)
        %add3A_270 = arith.constant 2 : i32
        %add3A_271 = arith.addi %add3A_173, %add3A_270 : i32
        %lt3A_272 = arith.cmpi slt, %add3A_271, %select_n3A_48 : i32
        %convert_element_type3A_273 = arith.extui %lt3A_272 : i1 to i32
        %cond3A_274 = arith.constant 0 : i32
        %cond3A_275 = arith.cmpi ne, %convert_element_type3A_273, %cond3A_274 : i32
        scf.if %cond3A_275 {
          %add3A_276 = arith.constant 2 : i32
          %add3A_277 = arith.addi %add3A_173, %add3A_276 : i32
          %mul3A_278 = arith.constant 128 : i32
          %mul3A_279 = arith.muli %add3A_277, %mul3A_278 : i32
          %dma_start3A_280 = arith.constant 0 : i32
          %dma_start3A_281 = tpu.memref_slice %arg2[%mul3A_279, %dma_start3A_280] : memref<320000x128xf32, #tpu.memory_space<hbm>> -> memref<128x128xf32, #tpu.memory_space<hbm>>
          %dma_start3A_282 = arith.constant 0 : i32
          %dma_start3A_283 = tpu.memref_slice %arg2[%mul3A_279, %dma_start3A_282] : memref<320000x128xf32, #tpu.memory_space<hbm>> -> memref<128x128xf32, #tpu.memory_space<hbm>>
          tpu.enqueue_dma source(%dma_start3A_283 : memref<128x128xf32, #tpu.memory_space<hbm>>) target(%arg8 : memref<128x128xf32, #tpu.memory_space<vmem>>) target_semaphore(%arg16 : memref<!tpu.dma_semaphore, #tpu.memory_space<semaphore_mem>>)
          %dma_start3A_284 = arith.constant 0 : i32
          %dma_start3A_285 = tpu.memref_slice %arg3[%add3A_277, %dma_start3A_284] : memref<2500x128xi32, #tpu.memory_space<hbm>> -> memref<1x128xi32, #tpu.memory_space<hbm>>
          %dma_start3A_286 = arith.constant 0 : i32
          %dma_start3A_287 = tpu.memref_slice %arg3[%add3A_277, %dma_start3A_286] : memref<2500x128xi32, #tpu.memory_space<hbm>> -> memref<1x128xi32, #tpu.memory_space<hbm>>
          tpu.enqueue_dma source(%dma_start3A_287 : memref<1x128xi32, #tpu.memory_space<hbm>>) target(%arg10 : memref<1x128xi32, #tpu.memory_space<vmem>>) target_semaphore(%arg18 : memref<!tpu.dma_semaphore, #tpu.memory_space<semaphore_mem>>)
        } else {
        }
      } else {
      }
      %add3A_178 = arith.constant 1 : i32
      %add3A_179 = arith.addi %add3A_171, %add3A_178 : i32
      %lt3A_180 = arith.cmpi slt, %add3A_179, %select_n3A_48 : i32
      %convert_element_type3A_181 = arith.extui %lt3A_180 : i1 to i32
      %cond3A_182 = arith.constant 0 : i32
      %cond3A_183 = arith.cmpi ne, %convert_element_type3A_181, %cond3A_182 : i32
      scf.if %cond3A_183 {
        %mul3A_248 = arith.constant 128 : i32
        %mul3A_249 = arith.muli %add3A_179, %mul3A_248 : i32
        %dma_wait3A = arith.constant 0 : i32
        %dma_wait3A_250 = tpu.memref_slice %arg2[%mul3A_249, %dma_wait3A] : memref<320000x128xf32, #tpu.memory_space<hbm>> -> memref<128x128xf32, #tpu.memory_space<hbm>>
        %dma_wait3A_251 = arith.constant 0 : i32
        %dma_wait3A_252 = tpu.memref_slice %arg2[%mul3A_249, %dma_wait3A_251] : memref<320000x128xf32, #tpu.memory_space<hbm>> -> memref<128x128xf32, #tpu.memory_space<hbm>>
        tpu.wait_dma2 semaphore(%arg17 : memref<!tpu.dma_semaphore, #tpu.memory_space<semaphore_mem>>) src(%dma_wait3A_252 : memref<128x128xf32, #tpu.memory_space<hbm>>) dst(%arg9 : memref<128x128xf32, #tpu.memory_space<vmem>>)
        %dma_wait3A_253 = arith.constant 0 : i32
        %dma_wait3A_254 = tpu.memref_slice %arg3[%add3A_179, %dma_wait3A_253] : memref<2500x128xi32, #tpu.memory_space<hbm>> -> memref<1x128xi32, #tpu.memory_space<hbm>>
        %dma_wait3A_255 = arith.constant 0 : i32
        %dma_wait3A_256 = tpu.memref_slice %arg3[%add3A_179, %dma_wait3A_255] : memref<2500x128xi32, #tpu.memory_space<hbm>> -> memref<1x128xi32, #tpu.memory_space<hbm>>
        tpu.wait_dma2 semaphore(%arg19 : memref<!tpu.dma_semaphore, #tpu.memory_space<semaphore_mem>>) src(%dma_wait3A_256 : memref<1x128xi32, #tpu.memory_space<hbm>>) dst(%arg11 : memref<1x128xi32, #tpu.memory_space<vmem>>)
        %dma_start3A = arith.constant 0 : i32
        %dma_start3A_257 = arith.constant 0 : i32
        %dma_start3A_258 = tpu.memref_slice %arg11[%dma_start3A, %dma_start3A_257] : memref<1x128xi32, #tpu.memory_space<vmem>> -> memref<1x128xi32, #tpu.memory_space<vmem>>
        %dma_start3A_259 = tpu.memref_squeeze %dma_start3A_258 : memref<1x128xi32, #tpu.memory_space<vmem>> -> memref<128xi32, #tpu.memory_space<vmem>>
        %dma_start3A_260 = arith.constant 0 : i32
        %dma_start3A_261 = arith.constant 0 : i32
        %dma_start3A_262 = tpu.memref_slice %arg15[%dma_start3A_260, %dma_start3A_261] : memref<1024x128xf32, #tpu.memory_space<vmem_shared>> -> memref<1024x128xf32, #tpu.memory_space<vmem_shared>>
        tpu.enqueue_indirect_dma source(%arg9 : memref<128x128xf32, #tpu.memory_space<vmem>>) target(%dma_start3A_262 : memref<1024x128xf32, #tpu.memory_space<vmem_shared>>) offsets(%dma_start3A_259 : memref<128xi32, #tpu.memory_space<vmem>>) semaphore(%arg21 : memref<!tpu.dma_semaphore, #tpu.memory_space<semaphore_mem>>) {add = true}
        %dma_wait3A_263 = arith.constant 0 : i32
        %dma_wait3A_264 = arith.constant 0 : i32
        %dma_wait3A_265 = tpu.memref_slice %arg11[%dma_wait3A_263, %dma_wait3A_264] : memref<1x128xi32, #tpu.memory_space<vmem>> -> memref<1x128xi32, #tpu.memory_space<vmem>>
        %dma_wait3A_266 = tpu.memref_squeeze %dma_wait3A_265 : memref<1x128xi32, #tpu.memory_space<vmem>> -> memref<128xi32, #tpu.memory_space<vmem>>
        %dma_wait3A_267 = arith.constant 0 : i32
        %dma_wait3A_268 = arith.constant 0 : i32
        %dma_wait3A_269 = tpu.memref_slice %arg15[%dma_wait3A_267, %dma_wait3A_268] : memref<1024x128xf32, #tpu.memory_space<vmem_shared>> -> memref<1024x128xf32, #tpu.memory_space<vmem_shared>>
        tpu.wait_indirect_dma semaphore(%arg21 : memref<!tpu.dma_semaphore, #tpu.memory_space<semaphore_mem>>) src(%arg9 : memref<128x128xf32, #tpu.memory_space<vmem>>) dst(%dma_wait3A_269 : memref<1024x128xf32, #tpu.memory_space<vmem_shared>>)
        %add3A_270 = arith.constant 2 : i32
        %add3A_271 = arith.addi %add3A_179, %add3A_270 : i32
        %lt3A_272 = arith.cmpi slt, %add3A_271, %select_n3A_48 : i32
        %convert_element_type3A_273 = arith.extui %lt3A_272 : i1 to i32
        %cond3A_274 = arith.constant 0 : i32
        %cond3A_275 = arith.cmpi ne, %convert_element_type3A_273, %cond3A_274 : i32
        scf.if %cond3A_275 {
          %add3A_276 = arith.constant 2 : i32
          %add3A_277 = arith.addi %add3A_179, %add3A_276 : i32
          %mul3A_278 = arith.constant 128 : i32
          %mul3A_279 = arith.muli %add3A_277, %mul3A_278 : i32
          %dma_start3A_280 = arith.constant 0 : i32
          %dma_start3A_281 = tpu.memref_slice %arg2[%mul3A_279, %dma_start3A_280] : memref<320000x128xf32, #tpu.memory_space<hbm>> -> memref<128x128xf32, #tpu.memory_space<hbm>>
          %dma_start3A_282 = arith.constant 0 : i32
          %dma_start3A_283 = tpu.memref_slice %arg2[%mul3A_279, %dma_start3A_282] : memref<320000x128xf32, #tpu.memory_space<hbm>> -> memref<128x128xf32, #tpu.memory_space<hbm>>
          tpu.enqueue_dma source(%dma_start3A_283 : memref<128x128xf32, #tpu.memory_space<hbm>>) target(%arg9 : memref<128x128xf32, #tpu.memory_space<vmem>>) target_semaphore(%arg17 : memref<!tpu.dma_semaphore, #tpu.memory_space<semaphore_mem>>)
          %dma_start3A_284 = arith.constant 0 : i32
          %dma_start3A_285 = tpu.memref_slice %arg3[%add3A_277, %dma_start3A_284] : memref<2500x128xi32, #tpu.memory_space<hbm>> -> memref<1x128xi32, #tpu.memory_space<hbm>>
          %dma_start3A_286 = arith.constant 0 : i32
          %dma_start3A_287 = tpu.memref_slice %arg3[%add3A_277, %dma_start3A_286] : memref<2500x128xi32, #tpu.memory_space<hbm>> -> memref<1x128xi32, #tpu.memory_space<hbm>>
          tpu.enqueue_dma source(%dma_start3A_287 : memref<1x128xi32, #tpu.memory_space<hbm>>) target(%arg11 : memref<1x128xi32, #tpu.memory_space<vmem>>) target_semaphore(%arg19 : memref<!tpu.dma_semaphore, #tpu.memory_space<semaphore_mem>>)
        } else {
        }
      } else {
      }
      %convert_element_type3A_184 = arith.extui %lt3A_165 : i1 to i32
      %cond3A_185 = arith.constant 0 : i32
      %cond3A_186 = arith.cmpi ne, %convert_element_type3A_184, %cond3A_185 : i32
      scf.if %cond3A_186 {
        %dma_wait3A = arith.constant 0 : i32
        %dma_wait3A_248 = tpu.memref_slice %arg4[%dma_wait3A] : memref<320000xi32, #tpu.memory_space<hbm>> -> memref<320000xi32, #tpu.memory_space<hbm>>
        tpu.wait_indirect_dma semaphore(%arg22 : memref<!tpu.dma_semaphore, #tpu.memory_space<semaphore_mem>>) src(%dma_wait3A_248 : memref<320000xi32, #tpu.memory_space<hbm>>) dst(%arg13 : memref<64xi32, #tpu.memory_space<vmem>>)
      } else {
      }
      %add3A_187 = arith.addi %while3A_156, %while3A_160 : vector<16xi32>
      %shift_right_logical3A = arith.constant 1 : i32
      %shift_right_logical3A_188 = vector.broadcast %shift_right_logical3A : i32 to vector<16xi32>
      %shift_right_logical3A_189 = arith.shrui %add3A_187, %shift_right_logical3A_188 : vector<16xi32>
      %get3A = arith.constant 0 : index
      %get3A_190 = tpu.vector_load %arg13[%get3A] {strides = array<i32>} : memref<64xi32, #tpu.memory_space<vmem>>, vector<16xi32>,
      %get3A_191 = vector.shape_cast %get3A_190 : vector<16xi32> to vector<16xi32>
      %lt3A_192 = arith.cmpi slt, %while3A_156, %while3A_160 : vector<16xi32>
      %le3A = arith.cmpi sle, %get3A_191, %add3A_63 : vector<16xi32>
      %add3A_193 = arith.constant 1 : i32
      %add3A_194 = vector.broadcast %add3A_193 : i32 to vector<16xi32>
      %add3A_195 = arith.addi %shift_right_logical3A_189, %add3A_194 : vector<16xi32>
      %select_n3A_196 = arith.select %le3A, %add3A_195, %while3A_156 : vector<16xi1>, vector<16xi32>
      %select_n3A_197 = arith.select %lt3A_192, %select_n3A_196, %while3A_156 : vector<16xi1>, vector<16xi32>
      %select_n3A_198 = arith.select %le3A, %while3A_160, %shift_right_logical3A_189 : vector<16xi1>, vector<16xi32>
      %select_n3A_199 = arith.select %lt3A_192, %select_n3A_198, %while3A_160 : vector<16xi1>, vector<16xi32>
      %add3A_200 = arith.addi %while3A_157, %while3A_161 : vector<16xi32>
      %shift_right_logical3A_201 = arith.constant 1 : i32
      %shift_right_logical3A_202 = vector.broadcast %shift_right_logical3A_201 : i32 to vector<16xi32>
      %shift_right_logical3A_203 = arith.shrui %add3A_200, %shift_right_logical3A_202 : vector<16xi32>
      %get3A_204 = arith.constant 16 : index
      %get3A_205 = tpu.vector_load %arg13[%get3A_204] {strides = array<i32>} : memref<64xi32, #tpu.memory_space<vmem>>, vector<16xi32>,
      %get3A_206 = vector.shape_cast %get3A_205 : vector<16xi32> to vector<16xi32>
      %lt3A_207 = arith.cmpi slt, %while3A_157, %while3A_161 : vector<16xi32>
      %le3A_208 = arith.cmpi sle, %get3A_206, %add3A_69 : vector<16xi32>
      %add3A_209 = arith.constant 1 : i32
      %add3A_210 = vector.broadcast %add3A_209 : i32 to vector<16xi32>
      %add3A_211 = arith.addi %shift_right_logical3A_203, %add3A_210 : vector<16xi32>
      %select_n3A_212 = arith.select %le3A_208, %add3A_211, %while3A_157 : vector<16xi1>, vector<16xi32>
      %select_n3A_213 = arith.select %lt3A_207, %select_n3A_212, %while3A_157 : vector<16xi1>, vector<16xi32>
      %select_n3A_214 = arith.select %le3A_208, %while3A_161, %shift_right_logical3A_203 : vector<16xi1>, vector<16xi32>
      %select_n3A_215 = arith.select %lt3A_207, %select_n3A_214, %while3A_161 : vector<16xi1>, vector<16xi32>
      %add3A_216 = arith.addi %while3A_158, %while3A_162 : vector<16xi32>
      %shift_right_logical3A_217 = arith.constant 1 : i32
      %shift_right_logical3A_218 = vector.broadcast %shift_right_logical3A_217 : i32 to vector<16xi32>
      %shift_right_logical3A_219 = arith.shrui %add3A_216, %shift_right_logical3A_218 : vector<16xi32>
      %get3A_220 = arith.constant 32 : index
      %get3A_221 = tpu.vector_load %arg13[%get3A_220] {strides = array<i32>} : memref<64xi32, #tpu.memory_space<vmem>>, vector<16xi32>,
      %get3A_222 = vector.shape_cast %get3A_221 : vector<16xi32> to vector<16xi32>
      %lt3A_223 = arith.cmpi slt, %while3A_158, %while3A_162 : vector<16xi32>
      %le3A_224 = arith.cmpi sle, %get3A_222, %add3A_71 : vector<16xi32>
      %add3A_225 = arith.constant 1 : i32
      %add3A_226 = vector.broadcast %add3A_225 : i32 to vector<16xi32>
      %add3A_227 = arith.addi %shift_right_logical3A_219, %add3A_226 : vector<16xi32>
      %select_n3A_228 = arith.select %le3A_224, %add3A_227, %while3A_158 : vector<16xi1>, vector<16xi32>
      %select_n3A_229 = arith.select %lt3A_223, %select_n3A_228, %while3A_158 : vector<16xi1>, vector<16xi32>
      %select_n3A_230 = arith.select %le3A_224, %while3A_162, %shift_right_logical3A_219 : vector<16xi1>, vector<16xi32>
      %select_n3A_231 = arith.select %lt3A_223, %select_n3A_230, %while3A_162 : vector<16xi1>, vector<16xi32>
      %add3A_232 = arith.addi %while3A_159, %while3A_163 : vector<16xi32>
      %shift_right_logical3A_233 = arith.constant 1 : i32
      %shift_right_logical3A_234 = vector.broadcast %shift_right_logical3A_233 : i32 to vector<16xi32>
      %shift_right_logical3A_235 = arith.shrui %add3A_232, %shift_right_logical3A_234 : vector<16xi32>
      %get3A_236 = arith.constant 48 : index
      %get3A_237 = tpu.vector_load %arg13[%get3A_236] {strides = array<i32>} : memref<64xi32, #tpu.memory_space<vmem>>, vector<16xi32>,
      %get3A_238 = vector.shape_cast %get3A_237 : vector<16xi32> to vector<16xi32>
      %lt3A_239 = arith.cmpi slt, %while3A_159, %while3A_163 : vector<16xi32>
      %le3A_240 = arith.cmpi sle, %get3A_238, %add3A_75 : vector<16xi32>
      %add3A_241 = arith.constant 1 : i32
      %add3A_242 = vector.broadcast %add3A_241 : i32 to vector<16xi32>
      %add3A_243 = arith.addi %shift_right_logical3A_235, %add3A_242 : vector<16xi32>
      %select_n3A_244 = arith.select %le3A_240, %add3A_243, %while3A_159 : vector<16xi1>, vector<16xi32>
      %select_n3A_245 = arith.select %lt3A_239, %select_n3A_244, %while3A_159 : vector<16xi1>, vector<16xi32>
      %select_n3A_246 = arith.select %le3A_240, %while3A_163, %shift_right_logical3A_235 : vector<16xi1>, vector<16xi32>
      %select_n3A_247 = arith.select %lt3A_239, %select_n3A_246, %while3A_163 : vector<16xi1>, vector<16xi32>
      scf.yield %select_n3A_197, %select_n3A_213, %select_n3A_229, %select_n3A_245, %select_n3A_199, %select_n3A_215, %select_n3A_231, %select_n3A_247 : vector<16xi32>, vector<16xi32>, vector<16xi32>, vector<16xi32>, vector<16xi32>, vector<16xi32>, vector<16xi32>, vector<16xi32>
    }
    %sub3A_117 = arith.subi %while3A_116#0, %while3A_116#2 : vector<16xi32>
    %convert_element_type3A_118 = arith.sitofp %sub3A_117 : vector<16xi32> to vector<16xf32>
    %swap3A = arith.constant 0 : index
    %swap3A_119 = tpu.vector_load %arg14[%swap3A] {strides = array<i32>} : memref<128xf32, #tpu.memory_space<vmem>>, vector<16xf32>,
    %swap3A_120 = vector.shape_cast %swap3A_119 : vector<16xf32> to vector<16xf32>
    %swap3A_121 = vector.shape_cast %convert_element_type3A_118 : vector<16xf32> to vector<16xf32>
    tpu.vector_store %arg14[%swap3A], %swap3A_121 {strides = array<i32>} : memref<128xf32, #tpu.memory_space<vmem>>, vector<16xf32>,
    %sub3A_122 = arith.subi %while3A_116#1, %while3A_116#3 : vector<16xi32>
    %convert_element_type3A_123 = arith.sitofp %sub3A_122 : vector<16xi32> to vector<16xf32>
    %swap3A_124 = arith.constant 16 : index
    %swap3A_125 = tpu.vector_load %arg14[%swap3A_124] {strides = array<i32>} : memref<128xf32, #tpu.memory_space<vmem>>, vector<16xf32>,
    %swap3A_126 = vector.shape_cast %swap3A_125 : vector<16xf32> to vector<16xf32>
    %swap3A_127 = vector.shape_cast %convert_element_type3A_123 : vector<16xf32> to vector<16xf32>
    tpu.vector_store %arg14[%swap3A_124], %swap3A_127 {strides = array<i32>} : memref<128xf32, #tpu.memory_space<vmem>>, vector<16xf32>,
    %broadcast_in_dim3A_128 = arith.constant 0.000000e+00 : f32
    %broadcast_in_dim3A_129 = vector.broadcast %broadcast_in_dim3A_128 : f32 to vector<16xf32>
    %swap3A_130 = arith.constant 32 : index
    %swap3A_131 = tpu.vector_load %arg14[%swap3A_130] {strides = array<i32>} : memref<128xf32, #tpu.memory_space<vmem>>, vector<16xf32>,
    %swap3A_132 = vector.shape_cast %swap3A_131 : vector<16xf32> to vector<16xf32>
    %swap3A_133 = vector.shape_cast %broadcast_in_dim3A_129 : vector<16xf32> to vector<16xf32>
    tpu.vector_store %arg14[%swap3A_130], %swap3A_133 {strides = array<i32>} : memref<128xf32, #tpu.memory_space<vmem>>, vector<16xf32>,
    %swap3A_134 = arith.constant 48 : index
    %swap3A_135 = tpu.vector_load %arg14[%swap3A_134] {strides = array<i32>} : memref<128xf32, #tpu.memory_space<vmem>>, vector<16xf32>,
    %swap3A_136 = vector.shape_cast %swap3A_135 : vector<16xf32> to vector<16xf32>
    %swap3A_137 = vector.shape_cast %broadcast_in_dim3A_129 : vector<16xf32> to vector<16xf32>
    tpu.vector_store %arg14[%swap3A_134], %swap3A_137 {strides = array<i32>} : memref<128xf32, #tpu.memory_space<vmem>>, vector<16xf32>,
    %swap3A_138 = arith.constant 64 : index
    %swap3A_139 = tpu.vector_load %arg14[%swap3A_138] {strides = array<i32>} : memref<128xf32, #tpu.memory_space<vmem>>, vector<16xf32>,
    %swap3A_140 = vector.shape_cast %swap3A_139 : vector<16xf32> to vector<16xf32>
    %swap3A_141 = vector.shape_cast %broadcast_in_dim3A_129 : vector<16xf32> to vector<16xf32>
    tpu.vector_store %arg14[%swap3A_138], %swap3A_141 {strides = array<i32>} : memref<128xf32, #tpu.memory_space<vmem>>, vector<16xf32>,
    %swap3A_142 = arith.constant 80 : index
    %swap3A_143 = tpu.vector_load %arg14[%swap3A_142] {strides = array<i32>} : memref<128xf32, #tpu.memory_space<vmem>>, vector<16xf32>,
    %swap3A_144 = vector.shape_cast %swap3A_143 : vector<16xf32> to vector<16xf32>
    %swap3A_145 = vector.shape_cast %broadcast_in_dim3A_129 : vector<16xf32> to vector<16xf32>
    tpu.vector_store %arg14[%swap3A_142], %swap3A_145 {strides = array<i32>} : memref<128xf32, #tpu.memory_space<vmem>>, vector<16xf32>,
    %swap3A_146 = arith.constant 96 : index
    %swap3A_147 = tpu.vector_load %arg14[%swap3A_146] {strides = array<i32>} : memref<128xf32, #tpu.memory_space<vmem>>, vector<16xf32>,
    %swap3A_148 = vector.shape_cast %swap3A_147 : vector<16xf32> to vector<16xf32>
    %swap3A_149 = vector.shape_cast %broadcast_in_dim3A_129 : vector<16xf32> to vector<16xf32>
    tpu.vector_store %arg14[%swap3A_146], %swap3A_149 {strides = array<i32>} : memref<128xf32, #tpu.memory_space<vmem>>, vector<16xf32>,
    %swap3A_150 = arith.constant 112 : index
    %swap3A_151 = tpu.vector_load %arg14[%swap3A_150] {strides = array<i32>} : memref<128xf32, #tpu.memory_space<vmem>>, vector<16xf32>,
    %swap3A_152 = vector.shape_cast %swap3A_151 : vector<16xf32> to vector<16xf32>
    %swap3A_153 = vector.shape_cast %broadcast_in_dim3A_129 : vector<16xf32> to vector<16xf32>
    tpu.vector_store %arg14[%swap3A_150], %swap3A_153 {strides = array<i32>} : memref<128xf32, #tpu.memory_space<vmem>>, vector<16xf32>,
    "tpu.region"() ({
      %run_scoped3A = tpu.sem_alloc : memref<!tpu.dma_semaphore, #tpu.memory_space<semaphore_mem>>
      %dma_start3A = arith.constant 0 : i32
      %dma_start3A_155 = tpu.memref_slice %arg7[%add3A, %dma_start3A] : memref<32x128xf32, #tpu.memory_space<hbm>> -> memref<1x128xf32, #tpu.memory_space<hbm>>
      %dma_start3A_156 = tpu.memref_squeeze %dma_start3A_155 : memref<1x128xf32, #tpu.memory_space<hbm>> -> memref<128xf32, #tpu.memory_space<hbm>>
      %dma_start3A_157 = arith.constant 0 : i32
      %dma_start3A_158 = tpu.memref_slice %arg7[%add3A, %dma_start3A_157] : memref<32x128xf32, #tpu.memory_space<hbm>> -> memref<1x128xf32, #tpu.memory_space<hbm>>
      %dma_start3A_159 = tpu.memref_squeeze %dma_start3A_158 : memref<1x128xf32, #tpu.memory_space<hbm>> -> memref<128xf32, #tpu.memory_space<hbm>>
      tpu.enqueue_dma source(%arg14 : memref<128xf32, #tpu.memory_space<vmem>>) target(%dma_start3A_159 : memref<128xf32, #tpu.memory_space<hbm>>) target_semaphore(%run_scoped3A : memref<!tpu.dma_semaphore, #tpu.memory_space<semaphore_mem>>)
      %dma_wait3A = arith.constant 0 : i32
      %dma_wait3A_160 = tpu.memref_slice %arg7[%add3A, %dma_wait3A] : memref<32x128xf32, #tpu.memory_space<hbm>> -> memref<1x128xf32, #tpu.memory_space<hbm>>
      %dma_wait3A_161 = tpu.memref_squeeze %dma_wait3A_160 : memref<1x128xf32, #tpu.memory_space<hbm>> -> memref<128xf32, #tpu.memory_space<hbm>>
      %dma_wait3A_162 = arith.constant 0 : i32
      %dma_wait3A_163 = tpu.memref_slice %arg7[%add3A, %dma_wait3A_162] : memref<32x128xf32, #tpu.memory_space<hbm>> -> memref<1x128xf32, #tpu.memory_space<hbm>>
      %dma_wait3A_164 = tpu.memref_squeeze %dma_wait3A_163 : memref<1x128xf32, #tpu.memory_space<hbm>> -> memref<128xf32, #tpu.memory_space<hbm>>
      tpu.wait_dma2 semaphore(%run_scoped3A : memref<!tpu.dma_semaphore, #tpu.memory_space<semaphore_mem>>) src(%arg14 : memref<128xf32, #tpu.memory_space<vmem>>) dst(%dma_wait3A_164 : memref<128xf32, #tpu.memory_space<hbm>>)
      tpu.yield
    }) : () -> ()
    %barrier3A_154 = arith.constant 0 : index
    tpu.barrier barrier_id(%barrier3A_154)
    "tpu.region"() ({
      %run_scoped3A = tpu.sem_alloc : memref<!tpu.dma_semaphore, #tpu.memory_space<semaphore_mem>>
      %dma_start3A = arith.constant 0 : i32
      %dma_start3A_155 = tpu.memref_slice %arg6[%arg0, %mul3A_2, %dma_start3A] : memref<2x1024x128xf32, #tpu.memory_space<hbm>> -> memref<1x64x128xf32, #tpu.memory_space<hbm>>
      %dma_start3A_156 = tpu.memref_squeeze %dma_start3A_155 : memref<1x64x128xf32, #tpu.memory_space<hbm>> -> memref<64x128xf32, #tpu.memory_space<hbm>>
      %dma_start3A_157 = arith.constant 0 : i32
      %dma_start3A_158 = tpu.memref_slice %arg15[%mul3A_2, %dma_start3A_157] : memref<1024x128xf32, #tpu.memory_space<vmem_shared>> -> memref<64x128xf32, #tpu.memory_space<vmem_shared>>
      tpu.enqueue_dma source(%dma_start3A_158 : memref<64x128xf32, #tpu.memory_space<vmem_shared>>) target(%dma_start3A_156 : memref<64x128xf32, #tpu.memory_space<hbm>>) target_semaphore(%run_scoped3A : memref<!tpu.dma_semaphore, #tpu.memory_space<semaphore_mem>>)
      %dma_wait3A = arith.constant 0 : i32
      %dma_wait3A_159 = tpu.memref_slice %arg6[%arg0, %mul3A_2, %dma_wait3A] : memref<2x1024x128xf32, #tpu.memory_space<hbm>> -> memref<1x64x128xf32, #tpu.memory_space<hbm>>
      %dma_wait3A_160 = tpu.memref_squeeze %dma_wait3A_159 : memref<1x64x128xf32, #tpu.memory_space<hbm>> -> memref<64x128xf32, #tpu.memory_space<hbm>>
      %dma_wait3A_161 = arith.constant 0 : i32
      %dma_wait3A_162 = tpu.memref_slice %arg15[%mul3A_2, %dma_wait3A_161] : memref<1024x128xf32, #tpu.memory_space<vmem_shared>> -> memref<64x128xf32, #tpu.memory_space<vmem_shared>>
      tpu.wait_dma2 semaphore(%run_scoped3A : memref<!tpu.dma_semaphore, #tpu.memory_space<semaphore_mem>>) src(%dma_wait3A_162 : memref<64x128xf32, #tpu.memory_space<vmem_shared>>) dst(%dma_wait3A_160 : memref<64x128xf32, #tpu.memory_space<hbm>>)
      tpu.yield
    }) : () -> ()
    return
  }
}

module attributes {stable_mosaic.version = 14 : i64} {
  func.func @_combine_body(%arg0: memref<2x1024x128xf32, #tpu.memory_space<vmem>>, %arg1: memref<1024x1xf32, #tpu.memory_space<vmem>>, %arg2: memref<1024x128xf32, #tpu.memory_space<vmem>>) attributes {dimension_semantics = [], scalar_prefetch = 0 : i64, scratch_operands = 0 : i64, tpu.core_type = #tpu.core_type<tc>} {
    %get3A = arith.constant 0 : index
    %get3A_0 = arith.constant 0 : index
    %get3A_1 = vector.load %arg1[%get3A, %get3A_0] : memref<1024x1xf32, #tpu.memory_space<vmem>>, vector<1024x1xf32>
    %get3A_2 = arith.constant 0 : index
    %get3A_3 = arith.constant 0 : index
    %get3A_4 = arith.constant 0 : index
    %get3A_5 = vector.load %arg0[%get3A_2, %get3A_3, %get3A_4] : memref<2x1024x128xf32, #tpu.memory_space<vmem>>, vector<1x1024x128xf32>
    %get3A_6 = vector.shape_cast %get3A_5 : vector<1x1024x128xf32> to vector<1024x128xf32>
    %get3A_7 = arith.constant 1 : index
    %get3A_8 = arith.constant 0 : index
    %get3A_9 = arith.constant 0 : index
    %get3A_10 = vector.load %arg0[%get3A_7, %get3A_8, %get3A_9] : memref<2x1024x128xf32, #tpu.memory_space<vmem>>, vector<1x1024x128xf32>
    %get3A_11 = vector.shape_cast %get3A_10 : vector<1x1024x128xf32> to vector<1024x128xf32>
    %add3A = arith.addf %get3A_6, %get3A_11 : vector<1024x128xf32>
    %max3A = arith.constant 1.000000e+00 : f32
    %max3A_12 = vector.broadcast %max3A : f32 to vector<1024x1xf32>
    %max3A_13 = arith.maximumf %get3A_1, %max3A_12 : vector<1024x1xf32>
    %div3A = vector.broadcast %max3A_13 : vector<1024x1xf32> to vector<1024x128xf32>
    %div3A_14 = arith.divf %add3A, %div3A : vector<1024x128xf32>
    %swap3A = arith.constant 0 : index
    %swap3A_15 = arith.constant 0 : index
    %swap3A_16 = vector.load %arg2[%swap3A, %swap3A_15] : memref<1024x128xf32, #tpu.memory_space<vmem>>, vector<1024x128xf32>
    tpu.vector_store %arg2[%swap3A, %swap3A_15], %div3A_14 {strides = array<i32>} : memref<1024x128xf32, #tpu.memory_space<vmem>>, vector<1024x128xf32>,
    return
  }
}

</mosaic_0001>

<sc_bundles>
// kernel: kernel.4.cloned.1.call-start
scs
__scs_entry_jumppad:
0x0: {  	(pc) =	sbr.rel $0x88, $3  }
0x1: {  	(tag) =	ssettag $0x0;
	lr =	simm.s32 $0x1  }
0x2: {  	[smem:$0x3F9F] =	sst lr;
	_ =	strace $0xD0000000  }
0x3: {  	_ = 	snop  }
0x4: {  	_ = 	snop  }
0x5: {  	_ = 	snop  }
0x6: {  	_ = 	snop  }
0x7: {  	_ = 	snop  }
__scs_overlays_trampoline_lowered:
0x8: {  	[smem:$0x3FAE] =	sst s0  }
0x9: {  	[smem:$0x3FAF] =	sst s1  }
0xa: {  	[smem:$0x3FB0] =	sst s2  }
0xb: {  	[smem:$0x3FB1] =	sst s3  }
0xc: {  	[smem:$0x3FB2] =	sst s4  }
0xd: {  	[smem:$0x3FB3] =	sst s5  }
0xe: {  	[smem:$0x3FB4] =	sst s6  }
0xf: {  	[smem:$0x3FB5] =	sst s7  }
0x10: {  	[smem:$0x3FB6] =	sst s8  }
0x11: {  	[smem:$0x3FB7] =	sst s9;
	s0 =	simm.s32 @!p0 $0x0  }
0x12: {  	s1 =	sld [smem:$0x3F9D];
	s0 =	simm.s32 @p0 $0x1  }
0x13: {  	[smem:$0x3FB8] =	sst s0;
	s0 =	simm.s32 @!p1 $0x0  }
0x14: {  	s2 =	sld [smem:$0x3F9C];
	s0 =	simm.s32 @p1 $0x1  }
0x15: {  	[smem:$0x3FB9] =	sst s0;
	s0 =	simm.s32 @!p2 $0x0  }
0x16: {  	s3 =	sld [smem:$0x3FDB];
	s0 =	simm.s32 @p2 $0x1  }
0x17: {  	s4 =	simm.s32 $0x1BF5;
	[smem:$0x3FBB] =	sst s0  }
0x18: {  	s0 =	sld [smem:$0x3F9E];
	_ =	swait.ge [sflag:s4], $0x0  }
0x19: {  	s7 =	sld [smem:$0x3F9F]  }
0x1a: {  	s8 =	sadd.s32 $0xFFFFE003, lr  }
0x1b: {  	s9 =	sadd.s32 $0xFFFFFEF7, lr;
	s5 =	simm.s32 $0xFFFFFFFF;
	p2 =	slt.u32 s8, $0xFFFFF086  }
0x1c: {  	p1 =	slt.u32 s9, $0xF7A;
	s5 =	simm.s32 @!p2 $0x0  }
0x1d: {  	s5 =	simm.s32 @p1 $0x1;
	p0 =	seq.s32 s7, s2  }
0x1e: {  	s7 =	smul.u32 @!p0 $0xF7A, s2;
	p2 =	seq.s32 @!p0 s5, $0x0  }
0x1f: {  	s9 =	smul.u32 $0xF7A, s1;
	s8 =	simm.s32 @!p0 $0x1BF5;
	p2 =	por !p2, p0  }
0x20: {  	[sflag:s8] =	ssyncset.s32 @!p0 $0xFFFFF086;
	s6 =	sadd.s32 @!p0 s3, s7;
	s7 =	simm.s32 @!p0 $0x108  }
0x21: {  	s3 =	sadd.s32 s3, s9;
	s6 =	sadd.s32 @!p0 $0x88, s6;
	s7 =	simm.s32 @p2 $0x1082  }
0x22: {  	[simem:s7], [sflag:s8] =	dma.local @!p0 [hbm:s6], $0xF7A  }
0x23: {  	s9 =	sor.u32 $0xD0000000, s2;
	s6 =	simm.s32 $0x108;
	_ =	swait.ge @!p0 [sflag:s8], $0x0  }
0x24: {  	s3 =	sadd.s32 $0x88, s3;
	s6 =	simm.s32 @!p1 $0x1082;
	[sflag:s4] =	ssyncset.s32 $0xFFFFF086  }
0x25: {  	[simem:s6], [sflag:s4] =	dma.local [hbm:s3], $0xF7A  }
0x26: {  	[smem:$0x3F9F] =	sst s1;
	(tag) =	ssettag s2;
	_ =	strace s9  }
0x27: {  	s1 =	sld [smem:$0x3FAF]  }
0x28: {  	s2 =	sld [smem:$0x3FB0]  }
0x29: {  	s4 =	sld [smem:$0x3FB2]  }
0x2a: {  	p0 =	seq.s32 s5, $0x0;
	s5 =	sld [smem:$0x3FB3]  }
0x2b: {  	s6 =	sld [smem:$0x3FB4]  }
0x2c: {  	s7 =	sld [smem:$0x3FB5]  }
0x2d: {  	s3 =	simm.s32 $0x108;
	s8 =	sld [smem:$0x3FB6]  }
0x2e: {  	s3 =	simm.s32 @!p0 $0x1082;
	s9 =	sld [smem:$0x3FB7]  }
0x2f: {  	lr =	sadd.s32 s0, s3;
	s0 =	sld [smem:$0x3FAE]  }
0x30: {  	s3 =	sld [smem:$0x3FB1]  }
0x31: {  	[smem:$0x3FBA] =	sst s10  }
0x32: {  	s10 =	sld [smem:$0x3FB8];
	_ =	sdelay $0x3  }
0x33: {  	p0 =	seq.s32 s10, $0x1;
	s10 =	sld [smem:$0x3FBA];
	_ =	sdelay $0x3  }
0x34: {  	[smem:$0x3FBA] =	sst s10  }
0x35: {  	s10 =	sld [smem:$0x3FB9];
	_ =	sdelay $0x3  }
0x36: {  	p1 =	seq.s32 s10, $0x1;
	s10 =	sld [smem:$0x3FBA];
	_ =	sdelay $0x3  }
0x37: {  	[smem:$0x3FBA] =	sst s10  }
0x38: {  	s10 =	sld [smem:$0x3FBB]  }
0x39: {  	_ = 	snop;
	(pc) =	sbr.ind lr, $3  }
0x3a: {  	_ = 	snop  }
0x3b: {  	_ = 	snop  }
0x3c: {  	p2 =	seq.s32 s10, $0x1;
	s10 =	sld [smem:$0x3FBA]  }
0x3d: {  	_ =	shalt  }
0x3e: {  	_ =	shalt  }
0x3f: {  	_ =	shalt  }
0x40: {  	_ =	shalt  }
0x41: {  	_ =	shalt  }
0x42: {  	_ =	shalt  }
0x43: {  	_ =	shalt  }
0x44: {  	_ =	shalt  }
0x45: {  	_ =	shalt  }
0x46: {  	_ =	shalt  }
0x47: {  	_ =	shalt  }
0x48: {  	_ =	shalt  }
0x49: {  	_ =	shalt  }
0x4a: {  	_ =	shalt  }
0x4b: {  	_ =	shalt  }
0x4c: {  	_ =	shalt  }
0x4d: {  	_ =	shalt  }
0x4e: {  	_ =	shalt  }
0x4f: {  	_ =	shalt  }
0x50: {  	_ =	shalt  }
0x51: {  	_ =	shalt  }
0x52: {  	_ =	shalt  }
0x53: {  	_ =	shalt  }
0x54: {  	_ =	shalt  }
0x55: {  	_ =	shalt  }
0x56: {  	_ =	shalt  }
0x57: {  	_ =	shalt  }
0x58: {  	_ =	shalt  }
0x59: {  	_ =	shalt  }
0x5a: {  	_ =	shalt  }
0x5b: {  	_ =	shalt  }
0x5c: {  	_ =	shalt  }
0x5d: {  	_ =	shalt  }
0x5e: {  	_ =	shalt  }
0x5f: {  	_ =	shalt  }
0x60: {  	_ =	shalt  }
0x61: {  	_ =	shalt  }
0x62: {  	_ =	shalt  }
0x63: {  	_ =	shalt  }
0x64: {  	_ =	shalt  }
0x65: {  	_ =	shalt  }
0x66: {  	_ =	shalt  }
0x67: {  	_ =	shalt  }
0x68: {  	_ =	shalt  }
0x69: {  	_ =	shalt  }
0x6a: {  	_ =	shalt  }
0x6b: {  	_ =	shalt  }
0x6c: {  	_ =	shalt  }
0x6d: {  	_ =	shalt  }
0x6e: {  	_ =	shalt  }
0x6f: {  	_ =	shalt  }
0x70: {  	_ =	shalt  }
0x71: {  	_ =	shalt  }
0x72: {  	_ =	shalt  }
0x73: {  	_ =	shalt  }
0x74: {  	_ =	shalt  }
0x75: {  	_ =	shalt  }
0x76: {  	_ =	shalt  }
0x77: {  	_ =	shalt  }
0x78: {  	_ =	shalt  }
0x79: {  	_ =	shalt  }
0x7a: {  	_ =	shalt  }
0x7b: {  	_ =	shalt  }
0x7c: {  	_ =	shalt  }
0x7d: {  	_ =	shalt  }
0x7e: {  	_ =	shalt  }
0x7f: {  	_ =	shalt  }
0x80: {  	_ =	shalt  }
0x81: {  	_ =	shalt  }
0x82: {  	_ =	shalt  }
0x83: {  	_ =	shalt  }
0x84: {  	_ =	shalt  }
0x85: {  	_ =	shalt  }
0x86: {  	_ =	shalt  }
0x87: {  	_ =	shalt  }
.Lfunc_end0:
.L_simem_size_0:
called_computation_lowered:
.L_overlay_start_0:
0x88: {  	s2 =	sld [smem:$0x3FD9]  }
0x89: {  	s3 =	sld [smem:$0x3FFE];
	_ =	sdelay $0x1  }
0x8a: {  	s1 =	srdreg.scid  }
0x8b: {  	s0 =	sand.u32 $0x1, s1  }
0x8c: {  	s14 =	sshll.u32 s0, $0xA;
	s2 =	sadd.s32 s3, s2  }
0x8d: {  	s2 =	sadd.s32 s2, s14  }
0x8e: {  	[smem:$0x3FC6] =	sst s2  }
0x8f: {  	_ = 	snop  }
0x90: {  	s2 =	sld [smem:$0x3FD0];
	_ =	sdelay $0x1  }
0x91: {  	s15 =	sld [smem:$0x3FC9]  }
0x92: {  	s5 =	simm.s32 $0xA;
	s6 =	simm.s32 $0x10;
	s4 =	sld [smem:$0x3FC8]  }
0x93: {  	[smem:s6], [sflag:s5] =	dma.local [hbm:s2], $0x1  }
0x94: {  	_ =	swait.eq [sflag:s5], $0x1  }
0x95: {  	[sflag:s5] =	ssyncset.done $0x0  }
0x96: {  	s16 =	sld [smem:$0x10];
	[sflag:s5] =	ssyncadd.s32 $0xFFFFFFFF  }
0x97: {  	s17 =	sld [smem:$0x11];
	(tm) =	ssettm $0x1  }
0x98: {  	s18 =	sld [smem:$0x3FFB];
	_ =	sdelay $0x3  }
0x99: {  	_ =	strace s18  }
0x9a: {  	s6 =	sld [smem:$0x3FFC];
	_ =	sdelay $0x3  }
0x9b: {  	_ =	strace s6  }
0x9c: {  	s6 =	sld [smem:$0x3FFD];
	_ =	sdelay $0x3  }
0x9d: {  	_ =	strace s6  }
0x9e: {  	_ =	strace $0x8FFFFFFF  }
0x9f: {  	s19 =	sld [smem:$0x3FDB];
	_ =	sdelay $0x1  }
0xa0: {  	s7 =	simm.s32 $_scs_section_size  }
0xa1: {  	s8 =	simm.s32 $_size__tile_overlayer_lowered;
	s9 =	simm.s32 $_tile_overlayer_lowered  }
0xa2: {  	s22 =	simm.s32 $0x1BFF;
	s21 =	sshll.u32 s9, $0x1;
	s6 =	sadd.s32 s7, s19  }
0xa3: {  	s10 =	simm.s32 $0x0;
	s20 =	sshll.u32 s8, $0x1;
	s8 =	sadd.s32 s21, s6  }
0xa4: {  	[timem:s10], [sflag:s22] =	dma.local [hbm:s8], s20  }
0xa5: {  	_ =	swait.ge [sflag:s22], s20  }
0xa6: {  	s7 =	ssub.s32 $0x0, s20;
	[sflag:s22] =	ssyncset.done $0x0  }
0xa7: {  	[sflag:s22] =	ssyncadd.s32 s7;
	_ =	sdelay $0x1  }
0xa8: {  	s23 =	simm.s32 $0x1B8B  }
0xa9: {  	_ =	swait.ge [sflag:s23], $0x1  }
0xaa: {  	[sflag:s23] =	ssyncset.done $0x0  }
0xab: {  	s25 =	simm.s32 $0x1B8E;
	s24 =	sld [smem:$0x3FFE];
	[sflag:s23] =	ssyncadd.s32 $0xFFFFFFFF  }
0xac: {  	s26 =	simm.s32 $execute0_lowered;
	[smem:$0x3FD2] =	sst s25  }
0xad: {  	s8 =	sshll.u32 s26, $0x1;
	_ =	strace $0x80000046;
	[dreg:$0x1] =	wrdreg $0xFFFFFFFF  }
0xae: {  	s28 =	simm.s32 $_size_execute0_lowered;
	s6 =	sadd.s32 s6, s8;
	[dreg:$0x0] =	wrdreg $0x0  }
0xaf: {  	s8 =	sshll.u32 s28, $0x1;
	[dreg:$0x2] =	wrdreg s6  }
0xb0: {  	[dreg:$0x3] =	wrdreg s8  }
0xb1: {  	[dreg:$0x4] =	wrdreg $0xC0  }
0xb2: {  	_ =	task [dreg:s10], $0x5FFFF  }
0xb3: {  	[dreg:$0x1] =	wrdreg $0xFFFFFFFF  }
0xb4: {  	[dreg:$0x0] =	wrdreg $0x60  }
0xb5: {  	[dreg:$0x2] =	wrdreg s15  }
0xb6: {  	[dreg:$0x3] =	wrdreg s4  }
0xb7: {  	[dreg:$0x4] =	wrdreg s17  }
0xb8: {  	[dreg:$0x5] =	wrdreg s16  }
0xb9: {  	[dreg:$0x6] =	wrdreg s24  }
0xba: {  	[dreg:$0x7] =	wrdreg $0x82800  }
0xbb: {  	[dreg:$0x8] =	wrdreg $0x9  }
0xbc: {  	_ =	task.clear_ibuf [dreg:s10], $0x9FFFF;
	_ =	strace $0x90000046  }
0xbd: {  	s29 =	simm.s32 $0x9;
	_ =	strace $0x80000048  }
0xbe: {  	_ =	swait.ge [sflag:s29], $0x1  }
0xbf: {  	[sflag:s29] =	ssyncadd.s32 $0xFFFFFFFF  }
0xc0: {  	_ =	strace $0x90000048  }
0xc1: {  	_ =	sfence  }
0xc2: {  	s30 =	sld [smem:$0x0];
	_ =	sdelay $0x2  }
0xc3: {  	s31 =	sshll.u32 s1, $0xD;
	s1 =	sshrl.u32 s1, $0x2  }
0xc4: {  	s3 =	sand.u32 $0x4000, s31;
	s1 =	sadd.s32 s1, s30  }
0xc5: {  	s0 =	sor.u32 s3, s0;
	s1 =	sshll.u32 s1, $0x11  }
0xc6: {  	s0 =	sor.u32 s1, s0  }
0xc7: {  	s0 =	sadd.s32 $0x8F2B, s0  }
0xc8: {  	[sflag:s0] =	ssyncadd.remote.s32 $0x1  }
0xc9: {  	_ =	sfence.sel $0xFFFF  }
0xca: {  	[dreg:$0x0] =	wrdreg $0xFFFFFFFF;
	(pc) =	sbr.abs _section_cstart, $3  }
0xcb: {  	[dreg:$0x1] =	wrdreg $0xFFFFFFFF  }
0xcc: {  	_ =	task.clear_ibuf [dreg:s10], $0x2FFFF;
	_ =	strace $0x9FFFFFFF  }
0xcd: {  	(tm) =	ssettm $0x7FFFFFFF  }
tec
execute0_lowered:
.L_overlay_start_1:
0x0: {  	(tag) =	ssettag $0x1  }
0x1: {  	s14 =	rddreg [dreg:$0x0]  }
0x2: {  	s13 =	rddreg [dreg:$0x1]  }
0x3: {  	s0 =	rddreg [dreg:$0x2]  }
0x4: {  	s31 =	rddreg [dreg:$0x3]  }
0x5: {  	s2 =	rddreg [dreg:$0x4]  }
0x6: {  	s1 =	rddreg [dreg:$0x5]  }
0x7: {  	s3 =	simm.s32 $0x0;
	s22 =	stileid.u32;
	[dreg:$0x7] =	wrdreg s0  }
0x8: {  	s8 =	srdreg.scid;
	[smem:$0x7FF] =	sst s3  }
0x9: {  	s5 =	sshll.u32 s22, $0xA;
	s4 =	sshll.u32 s22, $0x4;
	s3 =	sand.u32 $0x1, s8  }
0xa: {  	s7 =	sshll.u32 s22, $0xD;
	s12 =	sshll.u32 s22, $0x6;
	_ =	strace $0x80000047  }
0xb: {  	s15 =	sadd.s32 s5, s2;
	s4 =	sand.u32 $0x70, s4;
	s6 =	sshll.u32 s3, $0x4  }
0xc: {  	s9 =	ssub.s32 $0x2, s3;
	s11 =	sadd.s32 s7, s1;
	s0 =	sadd.s32 s31, s5  }
0xd: {  	s7 =	sor.u32 $0x1C08, s12;
	s25 =	smul.u32 $0x9C40, s3;
	s3 =	sshll.u32 s3, $0xE  }
0xe: {  	s2 =	sadd.s32 s4, s2;
	s16 =	sor.u32 s22, s6;
	[dreg:$0x8] =	wrdreg s11  }
0xf: {  	s10 =	sshrl.u32 s9, $0x1;
	[dreg:$0x9] =	wrdreg s0;
	s22 =	smul.u32 $0x9C4, s22  }
0x10: {  	s3 =	sadd.s32 s3, s15;
	s8 =	smul.u32 $0x9C4, s16;
	s26 =	sshll.u32 s16, $0x5  }
0x11: {  	s17 =	ssub.s32 s9, s10;
	s16 =	sshll.u32 s16, $0x4;
	s28 =	sor.u32 $0x1, s26  }
0x12: {  	s16 =	sand.u32 $0x180, s16;
	s31 =	sor.u32 $0x11, s26;
	s15 =	smax.u32 s17, $0x1  }
0x13: {  	s18 =	sadd.s32 $0x9C4, s8;
	s20 =	sshll.u32 s8, $0x6;
	s19 =	sshrl.u32 s8, $0x5  }
0x14: {  	s2 =	sadd.s32 s16, s2;
	s6 =	sshrl.u32 s18, $0x5;
	s21 =	sand.u32 $0x7FF800, s20  }
0x15: {  	s9 =	sshll.u32 s19, $0x4;
	s20 =	sadd.s32 $0x1, s19;
	s8 =	sadd.s32 s14, s21  }
0x16: {  	s23 =	ssub.s32 s6, s19;
	s9 =	sadd.s32 s13, s9;
	s11 =	sshll.u32 s20, $0xB  }
0x17: {  	s24 =	sshll.u32 s20, $0x4;
	s10 =	sadd.s32 $0x1, s23;
	s11 =	sand.u32 $0x1FFFF800, s11  }
0x18: {  	p0 =	slt.s32 s23, $0x0;
	s12 =	sand.u32 $0x8000, s10;
	s18 =	sand.u32 $0x1, s10  }
0x19: {  	s12 =	sshrl.u32 s12, $0xF;
	p1 =	seq.s32 s18, $0x1;
	s18 =	sadd.s32 s22, s25  }
0x1a: {  	s10 =	sadd.s32 s12, s10;
	p0 =	por !p0, !p1;
	s12 =	simm.s32 $0x1  }
0x1b: {  	s18 =	sshrl.u32 s18, $0x5;
	p1 =	sge.u32 s20, s6;
	s10 =	sshll.u32 s10, $0x10  }
0x1c: {  	p0 =	por !p0, !p0;
	s29 =	sshll.u32 s18, $0xB;
	s30 =	sshll.u32 s18, $0x4  }
0x1d: {  	s18 =	sadd.s32 $0x3, s18;
	s21 =	sshra.s32 s10, $0x11;
	s12 =	simm.s32 @!p0 $0x0  }
0x1e: {  	s10 =	sadd.s32 s14, s11;
	s11 =	sadd.s32 s13, s24;
	s16 =	sadd.s32 s29, s14  }
0x1f: {  	s23 =	sadd.s32 s30, s13;
	s13 =	sadd.s32 $0xC00, s2;
	p0 =	sle.u32 s6, s19  }
.Ltmp0:
0x20: {  	s12 =	ssub.s32 s21, s12;
	s2 =	simm.s32 @!p0 $0x0;
	(pc) =	sbr.rel .LBB2_1-.Ltmp0, $4  }
0x21: {  	s24 =	sor.u32 $0x10, s26;
	s2 =	simm.s32 @p0 $0x1;
	p0 =	slt.s32 s12, $0x1  }
0x22: {  	v3 =	vlaneseq.u32;
	s14 =	sadd.s32 $0xE00, s3;
	s19 =	simm.s32 $0x8;
	s0 =	simm.s32 @!p0 $0x0  }
0x23: {  	v4 =	vimm.f32 $0.0e+00;
	v2 =	vor.u32 s26, v3;
	s16 =	sadd.s32 $0x1000, s16;
	[smem:$0x7FC] =	sst s2;
	s0 =	simm.s32 @p0 $0x1  }
0x24: {  	v0 =	vadd.s32 s28, v3;
	v1 =	vadd.s32 s31, v3;
	s17 =	sadd.s32 $0x20, s23;
	v3 =	vor.u32 s24, v3;
	s21 =	simm.s32 $0x0;
	[smem:$0x7FD] =	sst s0  }
.LBB2_4:
0x25: {  	[spmem:s1] =	stream.indirect.scatter.add.f32 @!p5 [tilespmem:s2], [sflag:$0x6], $0x80, s31, s29, $0xb8;
	[tilespmem:$0xA280] =	vst v63  }
0x26: {  	_ =	swait.ge @!p5 [sflag:s0], $0x4000  }
0x27: {  	[sflag:s0] =	ssyncset.done @!p5 $0x0  }
0x28: {  	[sflag:s0] =	ssyncadd.s32 @!p5 $0xFFFFC000  }
0x29: {  	[tilespmem:s20], [sflag:$0x2] =	stream.linear.gather @!p6 [hbm4b:s30+s3], $0x4000, $0x38;
	[tilespmem:$0xA280] =	vst v63  }
0x2a: {  	s2 =	simm.s32 @!p6 $0x8080;
	s4 =	simm.s32 @!p3 $0x7;
	s0 =	sadd.s32 @!p6 $0x10, s28  }
0x2b: {  	[tilespmem:s2], [sflag:$0x4] =	stream.linear.gather @!p6 [hbm4b:s0+s3], $0x80, $0x38;
	[tilespmem:$0xA280] =	vst v63  }
0x2c: {  	_ =	swait.ge @!p3 [sflag:s4], $0x40  }
0x2d: {  	[sflag:s4] =	ssyncset.done @!p3 $0x0  }
0x2e: {  	[sflag:s4] =	ssyncadd.s32 @!p3 $0xFFFFFFC0  }
0x2f: {  	v17 =	vld [tilespmem:$0x8190]  }
0x30: {  	v18 =	vld [tilespmem:$0x81A0]  }
0x31: {  	v19 =	vld [tilespmem:$0x81B0]  }
0x32: {  	vm0 =	vlt.s32 v5, v6;
	v6 =	vshrl.u32 v16, $0x1;
	vm1 =	vlt.s32 v8, v11;
	v60 =	vld [tilespmem:$0x8180]  }
0x33: {  	v15 =	vshrl.u32 v15, $0x1;
	v14 =	vshrl.u32 v14, $0x1;
	vm2 =	vlt.s32 v7, v12  }
0x34: {  	v13 =	vshrl.u32 v13, $0x1;
	vm3 =	vlt.s32 v9, v10;
	v6 =	vadd.s32 $0x1, v6  }
0x35: {  	v61 =	vadd.s32 $0x1, v15;
	v14 =	vadd.s32 $0x1, v14;
	v62 =	vadd.s32 $0x1, v13  }
0x36: {  	vm4 =	vle.s32 v17, v1;
	vm14 =	vle.s32 v18, v2;
	vm5 =	vle.s32 v19, v3  }
0x37: {  	vm15 =	vle.s32 v60, v0;
	vm1 =	vmand vm1, vm4;
	vm3 =	vmand vm3, vm14  }
0x38: {  	vm0 =	vmand vm0, vm5;
	v8 =	vsel vm1, v61, v8;
	vm1 =	vmand vm2, vm15  }
0x39: {  	v63 =	vsel vm3, v62, v9;
	v5 =	vsel vm0, v6, v5;
	v7 =	vsel vm1, v14, v7  }
0x3a: {  	v6 =	vsub.s32 v7, v63;
	v7 =	vsub.s32 v8, v5  }
0x3b: {  	v5 =	vcvt.s32.f32 v6;
	v6 =	vcvt.s32.f32 v7  }
.LBB2_5:
0x3c: {  	[tilespmem:$0x8220] =	vst v4  }
0x3d: {  	[tilespmem:$0x8230] =	vst v4  }
0x3e: {  	[tilespmem:$0x8240] =	vst v4  }
0x3f: {  	[tilespmem:$0x8250] =	vst v4  }
0x40: {  	[tilespmem:$0x8260] =	vst v4  }
0x41: {  	[tilespmem:$0x8270] =	vst v4  }
0x42: {  	[tilespmem:$0x8200] =	vst v5  }
0x43: {  	s0 =	simm.s32 $0x0;
	s2 =	simm.s32 $0x8200;
	[tilespmem:$0x8210] =	vst v6  }
0x44: {  	[hbm4b:s13+s0] =	stream.linear.scatter [tilespmem:s2], [sflag:$0x8], $0x80, $0x38;
	[tilespmem:$0xA280] =	vst v63  }
0x45: {  	_ =	swait.ge [sflag:s19], $0x80  }
0x46: {  	s21 =	sadd.s32 $0x1, s21;
	[sflag:s19] =	ssyncset.done $0x0  }
0x47: {  	p0 =	sne.s32 s21, s15;
	[sflag:s19] =	ssyncadd.s32 $0xFFFFFF80  }
.Ltmp1:
0x48: {  	[bflag:$0x0] =	sbarrier.arrive $0xFFFF;
	(pc) =	sbr.rel @!p0 .LBB2_6-.Ltmp1, $4  }
0x49: {  	[hbm:s14], [sflag:s7] =	dma.local [spmem:s22], $0x400  }
0x4a: {  	_ =	swait.ge [sflag:s19], $0x400  }
0x4b: {  	[sflag:s19] =	ssyncset.done $0x0  }
0x4c: {  	[sflag:s19] =	ssyncadd.s32 $0xFFFFFC00  }
.LBB2_1:
0x4d: {  	s0 =	rddreg [dreg:$0x8]  }
0x4e: {  	s29 =	rddreg [dreg:$0x9];
	s22 =	sshrl.u32 s0, $0x3  }
0x4f: {  	[spmem:s22], [sflag:s7] =	dma.local [hbm:s29], $0x400  }
0x50: {  	_ =	swait.ge [sflag:s19], $0x400  }
0x51: {  	[sflag:s19] =	ssyncset.done $0x0  }
0x52: {  	[sflag:s19] =	ssyncadd.s32 $0xFFFFFC00  }
0x53: {  	[bflag:$0x0] =	sbarrier.arrive $0xFFFF  }
0x54: {  	s30 =	sld [smem:$0x7FC];
	_ =	sdelay $0x2  }
0x55: {  	p0 =	seq.s32 s30, $0x1  }
0x56: {  	s31 =	sld [smem:$0x7FD];
	s0 =	simm.s32 @!p0 $0x0  }
0x57: {  	[tilespmem:s0], [sflag:$0x1] =	stream.linear.gather @!p0 [hbm4b:s8+s0], $0x4000, $0x38;
	[tilespmem:$0xA280] =	vst v63  }
0x58: {  	s2 =	simm.s32 @!p0 $0x8000  }
0x59: {  	[tilespmem:s2], [sflag:$0x3] =	stream.linear.gather @!p0 [hbm4b:s9+s0], $0x80, $0x38;
	[tilespmem:$0xA280] =	vst v63  }
0x5a: {  	p0 =	seq.s32 s31, $0x1  }
.Ltmp2:
0x5b: {  	_ = 	snop;
	(pc) =	sbr.rel @p0 .LBB2_5-.Ltmp2, $4  }
0x5c: {  	s0 =	simm.s32 @!p1 $0x0;
	s2 =	simm.s32 @!p1 $0x4000  }
0x5d: {  	[tilespmem:s2], [sflag:$0x2] =	stream.linear.gather @!p1 [hbm4b:s10+s0], $0x4000, $0x38;
	[tilespmem:$0xA280] =	vst v63  }
0x5e: {  	s2 =	simm.s32 @!p1 $0x8080  }
0x5f: {  	v5 =	vimm.f32 $0.0e+00;
	v6 =	vimm.f32 $0.0e+00;
	[tilespmem:s2], [sflag:$0x4] =	stream.linear.gather @!p1 [hbm4b:s11+s0], $0x80, $0x38;
	[tilespmem:$0xA280] =	vst v63  }
0x60: {  	p0 =	por $0x0, $0x0  }
0x61: {  	v5 =	vimm.s32 $0x0;
	v6 =	vimm.s32 $0x4E200;
	p3 =	por p0, p0  }
0x62: {  	v7 =	vadd.s32 @!p3 v5, v6  }
0x63: {  	v7 =	vshrl.u32 @!p3 v7, $0x1  }
0x64: {  	v7 =	vmin.u32 @!p3 v7, $0x4E1FF  }
0x65: {  	[tilespmem:$0x8110] =	vst @!p3 v7  }
0x66: {  	s2 =	sadd.s32 $0xFFFFFFFD, s18;
	[tilespmem:$0x8120] =	vst @!p3 v7  }
0x67: {  	s0 =	rddreg [dreg:$0x7];
	p0 =	sge.u32 s2, s6;
	s3 =	simm.s32 @!p3 $0x40;
	[tilespmem:$0x8130] =	vst @!p3 v7  }
0x68: {  	s2 =	simm.s32 @!p3 $0x8100;
	s20 =	simm.s32 @!p3 $0x8180;
	s23 =	simm.s32 @!p0 $0x1;
	[tilespmem:$0x8100] =	vst @!p3 v7  }
0x69: {  	[tilespmem:s20], [sflag:$0x7] =	stream.indirect.gather @!p3 [hbm4b:s0+s3], $0x1, s2, s3, $0xb8;
	[tilespmem:$0xA280] =	vst v63  }
0x6a: {  	_ =	swait.ge @!p0 [sflag:s23], $0x4000  }
0x6b: {  	p2 =	sgt.s32 s12, $0x1;
	[sflag:s23] =	ssyncset.done @!p0 $0x0  }
0x6c: {  	s26 =	sadd.s32 $0xFFFFFFFE, s18;
	s0 =	simm.s32 @!p0 $0x3;
	[sflag:s23] =	ssyncadd.s32 @!p0 $0xFFFFC000  }
0x6d: {  	s25 =	sadd.s32 $0x2, s18;
	s24 =	simm.s32 @!p0 $0x8000;
	_ =	swait.ge @!p0 [sflag:s0], $0x80  }
0x6e: {  	s2 =	sadd.s32 @!p0 $0xFFFFFFFF, s18;
	s3 =	simm.s32 @!p0 $0x5;
	[sflag:s0] =	ssyncset.done @!p0 $0x0  }
0x6f: {  	s20 =	simm.s32 @!p0 $0x0;
	[sflag:s0] =	ssyncadd.s32 @!p0 $0xFFFFFF80;
	s0 =	simm.s32 @!p0 $0x80  }
0x70: {  	[spmem:s1] =	stream.indirect.scatter.add.f32 @!p0 [tilespmem:s20], [sflag:$0x5], $0x80, s24, s0, $0xb8;
	[tilespmem:$0xA280] =	vst v63  }
0x71: {  	s28 =	smov.u32 s17;
	p4 =	sge.u32 @!p0 s2, s6;
	_ =	swait.ge @!p0 [sflag:s3], $0x4000  }
0x72: {  	p5 =	sge.u32 s26, s6;
	p4 =	por p4, p0;
	[sflag:s3] =	ssyncset.done @!p0 $0x0  }
0x73: {  	s26 =	sadd.s32 $0x1000, s16;
	s2 =	simm.s32 @!p4 $0x0;
	[sflag:s3] =	ssyncadd.s32 @!p0 $0xFFFFC000  }
0x74: {  	[tilespmem:s2], [sflag:$0x1] =	stream.linear.gather @!p4 [hbm4b:s16+s2], $0x4000, $0x38;
	[tilespmem:$0xA280] =	vst v63  }
0x75: {  	s31 =	simm.s32 @!p5 $0x8080;
	s0 =	simm.s32 @!p4 $0x8000;
	s3 =	simm.s32 @!p5 $0x2  }
0x76: {  	[tilespmem:s0], [sflag:$0x3] =	stream.linear.gather @!p4 [hbm4b:s17+s2], $0x80, $0x38;
	[tilespmem:$0xA280] =	vst v63  }
0x77: {  	s29 =	simm.s32 @!p5 $0x80;
	s23 =	simm.s32 $0x1;
	_ =	swait.ge @!p5 [sflag:s3], $0x4000  }
.Ltmp3:
0x78: {  	p0 =	sge.u32 @!p5 s18, s6;
	[sflag:s3] =	ssyncset.done @!p5 $0x0;
	(pc) =	sbr.rel @!p2 .LBB2_4-.Ltmp3, $4  }
0x79: {  	v8 =	vimm.s32 $0x0;
	s20 =	simm.s32 @!p5 $0x4;
	p6 =	por p0, p5;
	[sflag:s3] =	ssyncadd.s32 @!p5 $0xFFFFC000  }
0x7a: {  	v11 =	vimm.s32 $0x4E200;
	v12 =	vimm.s32 $0x4E200;
	v9 =	vimm.s32 $0x0;
	s24 =	sadd.s32 $0x20, s17;
	s30 =	sadd.s32 @!p6 $0x800, s16;
	_ =	swait.ge @!p5 [sflag:s20], $0x80  }
0x7b: {  	v10 =	vimm.s32 $0x4E200;
	v13 =	vadd.s32 v5, v6;
	v14 =	vadd.s32 v5, v6;
	s2 =	simm.s32 @!p5 $0x4000;
	s0 =	simm.s32 @!p5 $0x6;
	[sflag:s20] =	ssyncset.done @!p5 $0x0  }
0x7c: {  	v15 =	vadd.s32 v5, v6;
	v16 =	vadd.s32 v5, v6;
	v7 =	vimm.s32 $0x0;
	s3 =	simm.s32 @!p6 $0x0;
	[sflag:s20] =	ssyncadd.s32 @!p5 $0xFFFFFF80;
	s20 =	simm.s32 @!p6 $0x4000  }
.LBB2_3:
0x7d: {  	[spmem:s1] =	stream.indirect.scatter.add.f32 @!p5 [tilespmem:s2], [sflag:$0x6], $0x80, s31, s29, $0xb8;
	[tilespmem:$0xA280] =	vst v63  }
0x7e: {  	_ =	swait.ge @!p5 [sflag:s0], $0x4000  }
0x7f: {  	[sflag:s0] =	ssyncset.done @!p5 $0x0  }
0x80: {  	[sflag:s0] =	ssyncadd.s32 @!p5 $0xFFFFC000  }
0x81: {  	[tilespmem:s20], [sflag:$0x2] =	stream.linear.gather @!p6 [hbm4b:s30+s3], $0x4000, $0x38;
	[tilespmem:$0xA280] =	vst v63  }
0x82: {  	s0 =	sadd.s32 @!p6 $0x10, s28;
	s20 =	simm.s32 @!p6 $0x8080;
	s30 =	simm.s32 @!p3 $0x7  }
0x83: {  	[tilespmem:s20], [sflag:$0x4] =	stream.linear.gather @!p6 [hbm4b:s0+s3], $0x80, $0x38;
	[tilespmem:$0xA280] =	vst v63  }
0x84: {  	_ =	swait.ge @!p3 [sflag:s30], $0x40  }
0x85: {  	[sflag:s30] =	ssyncset.done @!p3 $0x0  }
0x86: {  	[sflag:s30] =	ssyncadd.s32 @!p3 $0xFFFFFFC0  }
0x87: {  	v17 =	vld [tilespmem:$0x8190]  }
0x88: {  	v18 =	vld [tilespmem:$0x81A0]  }
0x89: {  	v16 =	vshrl.u32 v16, $0x1;
	v19 =	vld [tilespmem:$0x81B0]  }
0x8a: {  	vm1 =	vlt.s32 v5, v6;
	v15 =	vshrl.u32 v15, $0x1;
	vm2 =	vlt.s32 v8, v11;
	v21 =	vld [tilespmem:$0x8180]  }
0x8b: {  	v14 =	vshrl.u32 v14, $0x1;
	vm0 =	vlt.s32 v7, v12;
	v13 =	vshrl.u32 v13, $0x1  }
0x8c: {  	vm3 =	vlt.s32 v9, v10;
	v20 =	vadd.s32 $0x1, v16;
	v22 =	vadd.s32 $0x1, v15  }
0x8d: {  	v23 =	vadd.s32 $0x1, v14;
	vm4 =	vgt.s32 v17, v1;
	vm5 =	vle.s32 v17, v1  }
0x8e: {  	v17 =	vadd.s32 $0x1, v13;
	vm9 =	vgt.s32 v18, v2;
	vm6 =	vle.s32 v18, v2  }
0x8f: {  	vm7 =	vle.s32 v19, v3;
	vm11 =	vgt.s32 v19, v3;
	vm13 =	vle.s32 v21, v0  }
0x90: {  	vm15 =	vgt.s32 v21, v0;
	vm5 =	vmand vm2, vm5;
	vm2 =	vmand vm2, vm4  }
0x91: {  	vm4 =	vmand vm3, vm9;
	vm10 =	vmand vm3, vm6;
	vm12 =	vmand vm1, vm7  }
0x92: {  	s5 =	smov.u32 s23;
	vm1 =	vmand vm1, vm11;
	vm14 =	vmand vm0, vm13;
	vm0 =	vmand vm0, vm15  }
0x93: {  	p0 =	sgt.u32 s5, $0x12;
	v8 =	vsel vm5, v22, v8;
	v11 =	vsel vm2, v15, v11;
	v10 =	vsel vm4, v13, v10  }
0x94: {  	p3 =	por p0, p0;
	v9 =	vsel vm10, v17, v9;
	v7 =	vsel vm14, v23, v7;
	v5 =	vsel vm12, v20, v5  }
0x95: {  	v6 =	vsel vm1, v16, v6;
	v12 =	vsel vm0, v14, v12;
	v13 =	vadd.s32 @!p3 v8, v11  }
0x96: {  	v15 =	vadd.s32 @!p3 v9, v10;
	v16 =	vadd.s32 @!p3 v7, v12;
	v13 =	vshrl.u32 @!p3 v13, $0x1  }
0x97: {  	v15 =	vshrl.u32 @!p3 v15, $0x1;
	v16 =	vshrl.u32 @!p3 v16, $0x1;
	v13 =	vmin.u32 @!p3 v13, $0x4E1FF  }
0x98: {  	s20 =	sadd.s32 $0xFFFFFFFD, s25;
	v18 =	vmin.u32 @!p3 v16, $0x4E1FF;
	[tilespmem:$0x8110] =	vst @!p3 v13;
	v13 =	vmin.u32 @!p3 v15, $0x4E1FF;
	v15 =	vadd.s32 @!p3 v5, v6  }
0x99: {  	p6 =	sge.u32 s20, s6;
	[tilespmem:$0x8100] =	vst @!p3 v18;
	v15 =	vshrl.u32 @!p3 v15, $0x1  }
0x9a: {  	s2 =	simm.s32 @!p6 $0x1;
	s30 =	rddreg [dreg:$0x7];
	[tilespmem:$0x8120] =	vst @!p3 v13;
	v17 =	vmin.u32 @!p3 v15, $0x4E1FF  }
0x9b: {  	s31 =	simm.s32 @!p3 $0x40;
	s0 =	simm.s32 @!p3 $0x8100;
	s3 =	simm.s32 @!p3 $0x8180;
	[tilespmem:$0x8130] =	vst @!p3 v17  }
0x9c: {  	[tilespmem:s3], [sflag:$0x7] =	stream.indirect.gather @!p3 [hbm4b:s30+s31], $0x1, s0, s31, $0xb8;
	[tilespmem:$0xA280] =	vst v63  }
0x9d: {  	_ =	swait.ge @!p6 [sflag:s2], $0x4000  }
0x9e: {  	s5 =	sadd.s32 $0xFFFFFFFE, s25;
	s20 =	sadd.s32 @!p6 $0xFFFFFFFF, s25;
	[sflag:s2] =	ssyncset.done @!p6 $0x0  }
0x9f: {  	p2 =	sge.u32 @!p6 s20, s6;
	s20 =	simm.s32 @!p6 $0x3;
	[sflag:s2] =	ssyncadd.s32 @!p6 $0xFFFFC000  }
0xa0: {  	s23 =	sadd.s32 $0x1, s23;
	p5 =	sge.u32 s5, s6;
	_ =	swait.ge @!p6 [sflag:s20], $0x80  }
0xa1: {  	s5 =	simm.s32 @!p6 $0x80;
	s0 =	simm.s32 @!p6 $0x5;
	[sflag:s20] =	ssyncset.done @!p6 $0x0  }
0xa2: {  	s2 =	simm.s32 @!p6 $0x0;
	[sflag:s20] =	ssyncadd.s32 @!p6 $0xFFFFFF80;
	s20 =	simm.s32 @!p6 $0x8000  }
0xa3: {  	[spmem:s1] =	stream.indirect.scatter.add.f32 @!p6 [tilespmem:s2], [sflag:$0x5], $0x80, s20, s5, $0xb8;
	[tilespmem:$0xA280] =	vst v63  }
0xa4: {  	s29 =	smov.u32 s26;
	p4 =	slt.s32 s23, s12;
	_ =	swait.ge @!p6 [sflag:s0], $0x4000  }
0xa5: {  	s28 =	smov.u32 s24;
	p2 =	por p2, p6;
	[sflag:s0] =	ssyncset.done @!p6 $0x0  }
0xa6: {  	p0 =	sge.u32 @!p5 s25, s6;
	s4 =	simm.s32 @!p2 $0x0;
	[sflag:s0] =	ssyncadd.s32 @!p6 $0xFFFFC000  }
0xa7: {  	[tilespmem:s4], [sflag:$0x1] =	stream.linear.gather @!p2 [hbm4b:s26+s4], $0x4000, $0x38;
	[tilespmem:$0xA280] =	vst v63  }
0xa8: {  	s25 =	sadd.s32 $0x2, s25;
	s3 =	simm.s32 @!p5 $0x2;
	s0 =	simm.s32 @!p2 $0x8000  }
0xa9: {  	[tilespmem:s0], [sflag:$0x3] =	stream.linear.gather @!p2 [hbm4b:s24+s4], $0x80, $0x38;
	[tilespmem:$0xA280] =	vst v63  }
0xaa: {  	s31 =	simm.s32 @!p5 $0x8080;
	s2 =	simm.s32 @!p5 $0x4000;
	_ =	swait.ge @!p5 [sflag:s3], $0x4000  }
.Ltmp4:
0xab: {  	p6 =	por p0, p5;
	[sflag:s3] =	ssyncset.done @!p5 $0x0;
	(pc) =	sbr.rel @p4 .LBB2_3-.Ltmp4, $4  }
0xac: {  	s26 =	sadd.s32 $0x1000, s26;
	s4 =	simm.s32 @!p5 $0x4;
	[sflag:s3] =	ssyncadd.s32 @!p5 $0xFFFFC000  }
0xad: {  	s30 =	sadd.s32 @!p6 $0x800, s29;
	s29 =	simm.s32 @!p5 $0x80;
	_ =	swait.ge @!p5 [sflag:s4], $0x80  }
0xae: {  	v14 =	vadd.s32 v7, v12;
	s20 =	simm.s32 @!p6 $0x4000;
	s0 =	simm.s32 @!p5 $0x6;
	[sflag:s4] =	ssyncset.done @!p5 $0x0  }
0xaf: {  	v16 =	vadd.s32 v5, v6;
	v13 =	vadd.s32 v9, v10;
	v15 =	vadd.s32 v8, v11;
	s24 =	sadd.s32 $0x20, s24;
	s3 =	simm.s32 @!p6 $0x0;
	[sflag:s4] =	ssyncadd.s32 @!p5 $0xFFFFFF80  }
.Ltmp5:
0xb0: {  	_ = 	snop;
	(pc) =	sbr.rel .LBB2_4-.Ltmp5, $1  }
0xb1: {  	_ =	sdelay $0x3  }
.LBB2_6:
0xb2: {  	_ =	sfence.sel $0x180000  }
0xb3: {  	[bflag:$0x0] =	sbarrier.arrive $0xFFFF  }
0xb4: {  	_ =	strace $0x90000047  }
0xb5: {  	s0 =	stileid.u32;
	[bflag:$0x2] =	sbarrier.arrive $0xFFFF  }
0xb6: {  	p0 =	sne.s32 s0, $0x0;
	s0 =	rddreg [dreg:$0x6]  }
0xb7: {  	s0 =	sadd.s32 @!p0 $0x100000, s0  }
0xb8: {  	[sflag:s0] =	ssyncadd.tile.s32 @!p0 $0x1;
	_ =	shalt  }
.Lfunc_end2:
_tile_overlayer_lowered:
.L_overlay_start_2:
0xb9: {  	(tag) =	ssettag $0x2  }
0xba: {  	s0 =	rddreg [dreg:$0x0];
	s2 =	stileid.u32  }
0xbb: {  	s1 =	rddreg [dreg:$0x1];
	p0 =	sne.s32 s2, $0x0  }
0xbc: {  	s3 =	rddreg [dreg:$0x2];
	[bflag:$0x3] =	sbarrier.arrive $0xFFFF;
	s2 =	simm.s32 @!p0 $0x1C08  }
0xbd: {  	[timem:s3], [sflag:s2] =	dma.local @!p0 [hbm:s0], s1  }
0xbe: {  	s0 =	simm.s32 @!p0 $0x8  }
0xbf: {  	_ =	swait.ge @!p0 [sflag:s0], s1  }
0xc0: {  	s1 =	ssub.s32 @!p0 $0x0, s1;
	[sflag:s0] =	ssyncset.done @!p0 $0x0  }
0xc1: {  	[sflag:s0] =	ssyncadd.s32 @!p0 s1  }
0xc2: {  	[bflag:$0x3] =	sbarrier.arrive $0xFFFF  }
0xc3: {  	_ =	shalt  }

</sc_bundles>
